<compile_context>
chip_gen: v7x
topology: tpu7x:2x2x1
jax: 0.10.2.dev20260603
libtpu: 0.0.44.dev20260713+nightly
codegen_flags: <defaults>
</compile_context>

<pallas_src>
import functools

import jax
import jax.numpy as jnp
from jax import lax
from jax.experimental import pallas as pl
from jax.experimental.pallas import tpu as pltpu
from jax.experimental.pallas import tpu_sc as plsc

_N = 10000
_D = 128
_E = 320000
_B = 2 * _E
_NW = 32
_B_PER_W = _B // _NW
_CHUNK = 80
_NSTEPS = _B_PER_W // _CHUNK
_NBUF = 2
_PD = 1
assert _B_PER_W % _CHUNK == 0 and _CHUNK % 8 == 0
assert _NSTEPS % _NBUF == 0

_mesh = plsc.VectorSubcoreMesh(core_axis_name="c", subcore_axis_name="s")


@functools.partial(
    pl.kernel,
    out_type=jax.ShapeDtypeStruct((_B, _D), jnp.float32),
    mesh=_mesh,
    scratch_types=[
        pltpu.VMEM_SHARED((_N, _D), jnp.float32),
        pltpu.VMEM((_B_PER_W,), jnp.int32),
        [pltpu.VMEM((_CHUNK, _D), jnp.float32)] * _NBUF,
        [pltpu.SemaphoreType.DMA] * _NBUF,
        [pltpu.SemaphoreType.DMA] * _NBUF,
    ],
)
def _gather_rows(table_hbm, idx_hbm, out_hbm, table_sp, idx_v, rows_v,
                 gsems, ssems):
    s = lax.axis_index("s")
    wid = s * 2 + lax.axis_index("c")
    base = wid * _B_PER_W

    pltpu.sync_copy(idx_hbm.at[pl.ds(base, _B_PER_W)], idx_v)

    rows_main = (_N // 16) // 8 * 8
    rem_start = rows_main * 16
    sbase = s * rows_main
    n_full = rows_main // _CHUNK
    stage_chunks = [(k * _CHUNK, _CHUNK) for k in range(n_full)]
    stage_chunks.append((n_full * _CHUNK, rows_main - n_full * _CHUNK))
    for off, sz in stage_chunks:
        pltpu.sync_copy(table_hbm.at[pl.ds(sbase + off, sz)],
                        rows_v[0].at[pl.ds(0, sz)])
        pltpu.sync_copy(rows_v[0].at[pl.ds(0, sz)],
                        table_sp.at[pl.ds(sbase + off, sz)])

    @pl.when(s == 0)
    def _copy_tail():
        pltpu.sync_copy(table_hbm.at[pl.ds(rem_start, _N - rem_start)],
                        rows_v[1].at[pl.ds(0, _N - rem_start)])
        pltpu.sync_copy(rows_v[1].at[pl.ds(0, _N - rem_start)],
                        table_sp.at[pl.ds(rem_start, _N - rem_start)])

    plsc.subcore_barrier()

    def start_gather(step, b):
        pltpu.async_copy(
            table_sp.at[idx_v.at[pl.ds(step * _CHUNK, _CHUNK)]],
            rows_v[b], gsems[b])

    def wait_gather(step, b):
        pltpu.make_async_copy(
            table_sp.at[idx_v.at[pl.ds(step * _CHUNK, _CHUNK)]],
            rows_v[b], gsems[b]).wait()

    def start_store(step, b):
        off = base + step * _CHUNK
        pltpu.async_copy(rows_v[b], out_hbm.at[pl.ds(off, _CHUNK)], ssems[b])

    def wait_store(step, b):
        off = base + step * _CHUNK
        pltpu.make_async_copy(rows_v[b], out_hbm.at[pl.ds(off, _CHUNK)],
                              ssems[b]).wait()

    for p in range(_PD):
        start_gather(p, p)

    @pl.loop(0, _NSTEPS, step=_NBUF)
    def _steps(i):
        for b in range(_NBUF):
            step = i + b
            wait_gather(step, b)
            start_store(step, b)
            bp = (b + _PD) % _NBUF

            @pl.when(step + _PD < _NSTEPS)
            def _prefetch():
                @pl.when(step >= _PD)
                def _reuse_wait():
                    wait_store(step - _PD, bp)

                start_gather(step + _PD, bp)

    for b2 in range(_NBUF):
        step = _NSTEPS - _NBUF + b2
        wait_store(step, step % _NBUF)


@jax.jit
def kernel(vertices, edges, edge_features, edge_matrices):
    del edge_features, edge_matrices
    idx = edges.reshape(_B)
    out = _gather_rows(vertices, idx)
    return out.reshape(2, _E, _D)

# --- scband reference (transcript-rebuilt; emitter-appended) ---
"""Pipeline reference for scband-graph-loss-61383672594893 (READ-ONLY COPY).

The authoritative reference and input builder live on the scoring server;
editing this copy changes nothing except your own understanding.
"""

import jax, jax.numpy as jnp
import numpy as np


def setup_inputs(seed: int = 0) -> dict:
    key = jax.random.key(seed)
    k1, k2, k3, k4 = jax.random.split(key, 4)
    N, d, E = 10000, 128, 320000
    vertices = jax.random.normal(k1, (N, d), dtype=jnp.float32)
    edges = jax.random.randint(k2, (2, E), 0, N, dtype=jnp.int32)
    edge_features = jax.random.uniform(k3, (E,), dtype=jnp.float32)
    edge_matrices = jax.random.uniform(k4, (E,), dtype=jnp.float32)
    return {
        "vertices": vertices,
        "edges": edges,
        "edge_features": edge_features,
        "edge_matrices": edge_matrices,
    }


def reference(vertices, edges, edge_features, edge_matrices):
    # Faithful translation of the (truncated) forward body:
    #   V_1 = vertices[edges[0]]
    #   V_2 = vertices[edges[1]]
    # The original module has no return statement after the gathers; we
    # return the gathered endpoint features stacked as [2, E, d] so the
    # memory-bound gather work is materialized.
    V_1 = jnp.take(vertices, edges[0], axis=0)
    V_2 = jnp.take(vertices, edges[1], axis=0)
    return jnp.stack([V_1, V_2], axis=0)

if __name__ == "__main__":
    import jax
    _d = setup_inputs()
    print(jax.jit(kernel)(*tuple(_d.values())))

</pallas_src>

<mosaic_0001>
#map = affine_map<(d0, d1) -> (0, 0)>
#map1 = affine_map<(d0, d1) -> (0)>
module attributes {stable_mosaic.version = 14 : i64} {
  func.func @_gather_rows(%arg0: i32, %arg1: i32, %arg2: memref<10000x128xf32, #tpu.memory_space<hbm>>, %arg3: memref<640000xi32, #tpu.memory_space<hbm>>, %arg4: memref<640000x128xf32, #tpu.memory_space<hbm>>, %arg5: memref<10000x128xf32, #tpu.memory_space<vmem_shared>>, %arg6: memref<20000xi32, #tpu.memory_space<vmem>>, %arg7: memref<80x128xf32, #tpu.memory_space<vmem>>, %arg8: memref<80x128xf32, #tpu.memory_space<vmem>>, %arg9: memref<!tpu.dma_semaphore, #tpu.memory_space<semaphore_mem>>, %arg10: memref<!tpu.dma_semaphore, #tpu.memory_space<semaphore_mem>>, %arg11: memref<!tpu.dma_semaphore, #tpu.memory_space<semaphore_mem>>, %arg12: memref<!tpu.dma_semaphore, #tpu.memory_space<semaphore_mem>>) attributes {dimension_semantics = [#tpu.dimension_semantics<core_parallel>, #tpu.dimension_semantics<subcore_parallel>], iteration_bounds = array<i64: 2, 16>, scalar_prefetch = 0 : i64, scratch_operands = 8 : i64, tpu.core_type = #tpu.core_type<sc_vector_subcore>, window_params = [{transform_indices = #map}, {transform_indices = #map1}, {transform_indices = #map}]} {
    %mul3A = arith.constant 2 : i32
    %mul3A_0 = arith.muli %arg1, %mul3A : i32
    %add3A = arith.addi %mul3A_0, %arg0 : i32
    %mul3A_1 = arith.constant 20000 : i32
    %mul3A_2 = arith.muli %add3A, %mul3A_1 : i32
    "tpu.region"() ({
      %run_scoped3A = tpu.sem_alloc : memref<!tpu.dma_semaphore, #tpu.memory_space<semaphore_mem>>
      %dma_start3A_58 = tpu.memref_slice %arg3[%mul3A_2] : memref<640000xi32, #tpu.memory_space<hbm>> -> memref<20000xi32, #tpu.memory_space<hbm>>
      %dma_start3A_59 = tpu.memref_slice %arg3[%mul3A_2] : memref<640000xi32, #tpu.memory_space<hbm>> -> memref<20000xi32, #tpu.memory_space<hbm>>
      tpu.enqueue_dma source(%dma_start3A_59 : memref<20000xi32, #tpu.memory_space<hbm>>) target(%arg6 : memref<20000xi32, #tpu.memory_space<vmem>>) target_semaphore(%run_scoped3A : memref<!tpu.dma_semaphore, #tpu.memory_space<semaphore_mem>>)
      %dma_wait3A_60 = tpu.memref_slice %arg3[%mul3A_2] : memref<640000xi32, #tpu.memory_space<hbm>> -> memref<20000xi32, #tpu.memory_space<hbm>>
      %dma_wait3A_61 = tpu.memref_slice %arg3[%mul3A_2] : memref<640000xi32, #tpu.memory_space<hbm>> -> memref<20000xi32, #tpu.memory_space<hbm>>
      tpu.wait_dma2 semaphore(%run_scoped3A : memref<!tpu.dma_semaphore, #tpu.memory_space<semaphore_mem>>) src(%dma_wait3A_61 : memref<20000xi32, #tpu.memory_space<hbm>>) dst(%arg6 : memref<20000xi32, #tpu.memory_space<vmem>>)
      tpu.yield
    }) : () -> ()
    %mul3A_3 = arith.constant 624 : i32
    %mul3A_4 = arith.muli %arg1, %mul3A_3 : i32
    %add3A_5 = arith.constant 0 : i32
    %add3A_6 = arith.addi %mul3A_4, %add3A_5 : i32
    "tpu.region"() ({
      %run_scoped3A = tpu.sem_alloc : memref<!tpu.dma_semaphore, #tpu.memory_space<semaphore_mem>>
      %dma_start3A_58 = arith.constant 0 : i32
      %dma_start3A_59 = arith.constant 0 : i32
      %dma_start3A_60 = tpu.memref_slice %arg7[%dma_start3A_58, %dma_start3A_59] : memref<80x128xf32, #tpu.memory_space<vmem>> -> memref<80x128xf32, #tpu.memory_space<vmem>>
      %dma_start3A_61 = arith.constant 0 : i32
      %dma_start3A_62 = tpu.memref_slice %arg2[%add3A_6, %dma_start3A_61] : memref<10000x128xf32, #tpu.memory_space<hbm>> -> memref<80x128xf32, #tpu.memory_space<hbm>>
      %dma_start3A_63 = arith.constant 0 : i32
      %dma_start3A_64 = arith.constant 0 : i32
      %dma_start3A_65 = tpu.memref_slice %arg7[%dma_start3A_63, %dma_start3A_64] : memref<80x128xf32, #tpu.memory_space<vmem>> -> memref<80x128xf32, #tpu.memory_space<vmem>>
      %dma_start3A_66 = arith.constant 0 : i32
      %dma_start3A_67 = tpu.memref_slice %arg2[%add3A_6, %dma_start3A_66] : memref<10000x128xf32, #tpu.memory_space<hbm>> -> memref<80x128xf32, #tpu.memory_space<hbm>>
      tpu.enqueue_dma source(%dma_start3A_67 : memref<80x128xf32, #tpu.memory_space<hbm>>) target(%dma_start3A_65 : memref<80x128xf32, #tpu.memory_space<vmem>>) target_semaphore(%run_scoped3A : memref<!tpu.dma_semaphore, #tpu.memory_space<semaphore_mem>>)
      %dma_wait3A_68 = arith.constant 0 : i32
      %dma_wait3A_69 = arith.constant 0 : i32
      %dma_wait3A_70 = tpu.memref_slice %arg7[%dma_wait3A_68, %dma_wait3A_69] : memref<80x128xf32, #tpu.memory_space<vmem>> -> memref<80x128xf32, #tpu.memory_space<vmem>>
      %dma_wait3A_71 = arith.constant 0 : i32
      %dma_wait3A_72 = tpu.memref_slice %arg2[%add3A_6, %dma_wait3A_71] : memref<10000x128xf32, #tpu.memory_space<hbm>> -> memref<80x128xf32, #tpu.memory_space<hbm>>
      %dma_wait3A_73 = arith.constant 0 : i32
      %dma_wait3A_74 = arith.constant 0 : i32
      %dma_wait3A_75 = tpu.memref_slice %arg7[%dma_wait3A_73, %dma_wait3A_74] : memref<80x128xf32, #tpu.memory_space<vmem>> -> memref<80x128xf32, #tpu.memory_space<vmem>>
      %dma_wait3A_76 = arith.constant 0 : i32
      %dma_wait3A_77 = tpu.memref_slice %arg2[%add3A_6, %dma_wait3A_76] : memref<10000x128xf32, #tpu.memory_space<hbm>> -> memref<80x128xf32, #tpu.memory_space<hbm>>
      tpu.wait_dma2 semaphore(%run_scoped3A : memref<!tpu.dma_semaphore, #tpu.memory_space<semaphore_mem>>) src(%dma_wait3A_77 : memref<80x128xf32, #tpu.memory_space<hbm>>) dst(%dma_wait3A_75 : memref<80x128xf32, #tpu.memory_space<vmem>>)
      tpu.yield
    }) : () -> ()
    %add3A_7 = arith.constant 0 : i32
    %add3A_8 = arith.addi %mul3A_4, %add3A_7 : i32
    "tpu.region"() ({
      %run_scoped3A = tpu.sem_alloc : memref<!tpu.dma_semaphore, #tpu.memory_space<semaphore_mem>>
      %dma_start3A_58 = arith.constant 0 : i32
      %dma_start3A_59 = arith.constant 0 : i32
      %dma_start3A_60 = tpu.memref_slice %arg7[%dma_start3A_58, %dma_start3A_59] : memref<80x128xf32, #tpu.memory_space<vmem>> -> memref<80x128xf32, #tpu.memory_space<vmem>>
      %dma_start3A_61 = arith.constant 0 : i32
      %dma_start3A_62 = tpu.memref_slice %arg5[%add3A_8, %dma_start3A_61] : memref<10000x128xf32, #tpu.memory_space<vmem_shared>> -> memref<80x128xf32, #tpu.memory_space<vmem_shared>>
      %dma_start3A_63 = arith.constant 0 : i32
      %dma_start3A_64 = tpu.memref_slice %arg5[%add3A_8, %dma_start3A_63] : memref<10000x128xf32, #tpu.memory_space<vmem_shared>> -> memref<80x128xf32, #tpu.memory_space<vmem_shared>>
      %dma_start3A_65 = arith.constant 0 : i32
      %dma_start3A_66 = arith.constant 0 : i32
      %dma_start3A_67 = tpu.memref_slice %arg7[%dma_start3A_65, %dma_start3A_66] : memref<80x128xf32, #tpu.memory_space<vmem>> -> memref<80x128xf32, #tpu.memory_space<vmem>>
      tpu.enqueue_dma source(%dma_start3A_67 : memref<80x128xf32, #tpu.memory_space<vmem>>) target(%dma_start3A_64 : memref<80x128xf32, #tpu.memory_space<vmem_shared>>) target_semaphore(%run_scoped3A : memref<!tpu.dma_semaphore, #tpu.memory_space<semaphore_mem>>)
      %dma_wait3A_68 = arith.constant 0 : i32
      %dma_wait3A_69 = arith.constant 0 : i32
      %dma_wait3A_70 = tpu.memref_slice %arg7[%dma_wait3A_68, %dma_wait3A_69] : memref<80x128xf32, #tpu.memory_space<vmem>> -> memref<80x128xf32, #tpu.memory_space<vmem>>
      %dma_wait3A_71 = arith.constant 0 : i32
      %dma_wait3A_72 = tpu.memref_slice %arg5[%add3A_8, %dma_wait3A_71] : memref<10000x128xf32, #tpu.memory_space<vmem_shared>> -> memref<80x128xf32, #tpu.memory_space<vmem_shared>>
      %dma_wait3A_73 = arith.constant 0 : i32
      %dma_wait3A_74 = tpu.memref_slice %arg5[%add3A_8, %dma_wait3A_73] : memref<10000x128xf32, #tpu.memory_space<vmem_shared>> -> memref<80x128xf32, #tpu.memory_space<vmem_shared>>
      %dma_wait3A_75 = arith.constant 0 : i32
      %dma_wait3A_76 = arith.constant 0 : i32
      %dma_wait3A_77 = tpu.memref_slice %arg7[%dma_wait3A_75, %dma_wait3A_76] : memref<80x128xf32, #tpu.memory_space<vmem>> -> memref<80x128xf32, #tpu.memory_space<vmem>>
      tpu.wait_dma2 semaphore(%run_scoped3A : memref<!tpu.dma_semaphore, #tpu.memory_space<semaphore_mem>>) src(%dma_wait3A_77 : memref<80x128xf32, #tpu.memory_space<vmem>>) dst(%dma_wait3A_74 : memref<80x128xf32, #tpu.memory_space<vmem_shared>>)
      tpu.yield
    }) : () -> ()
    %add3A_9 = arith.constant 80 : i32
    %add3A_10 = arith.addi %mul3A_4, %add3A_9 : i32
    "tpu.region"() ({
      %run_scoped3A = tpu.sem_alloc : memref<!tpu.dma_semaphore, #tpu.memory_space<semaphore_mem>>
      %dma_start3A_58 = arith.constant 0 : i32
      %dma_start3A_59 = arith.constant 0 : i32
      %dma_start3A_60 = tpu.memref_slice %arg7[%dma_start3A_58, %dma_start3A_59] : memref<80x128xf32, #tpu.memory_space<vmem>> -> memref<80x128xf32, #tpu.memory_space<vmem>>
      %dma_start3A_61 = arith.constant 0 : i32
      %dma_start3A_62 = tpu.memref_slice %arg2[%add3A_10, %dma_start3A_61] : memref<10000x128xf32, #tpu.memory_space<hbm>> -> memref<80x128xf32, #tpu.memory_space<hbm>>
      %dma_start3A_63 = arith.constant 0 : i32
      %dma_start3A_64 = arith.constant 0 : i32
      %dma_start3A_65 = tpu.memref_slice %arg7[%dma_start3A_63, %dma_start3A_64] : memref<80x128xf32, #tpu.memory_space<vmem>> -> memref<80x128xf32, #tpu.memory_space<vmem>>
      %dma_start3A_66 = arith.constant 0 : i32
      %dma_start3A_67 = tpu.memref_slice %arg2[%add3A_10, %dma_start3A_66] : memref<10000x128xf32, #tpu.memory_space<hbm>> -> memref<80x128xf32, #tpu.memory_space<hbm>>
      tpu.enqueue_dma source(%dma_start3A_67 : memref<80x128xf32, #tpu.memory_space<hbm>>) target(%dma_start3A_65 : memref<80x128xf32, #tpu.memory_space<vmem>>) target_semaphore(%run_scoped3A : memref<!tpu.dma_semaphore, #tpu.memory_space<semaphore_mem>>)
      %dma_wait3A_68 = arith.constant 0 : i32
      %dma_wait3A_69 = arith.constant 0 : i32
      %dma_wait3A_70 = tpu.memref_slice %arg7[%dma_wait3A_68, %dma_wait3A_69] : memref<80x128xf32, #tpu.memory_space<vmem>> -> memref<80x128xf32, #tpu.memory_space<vmem>>
      %dma_wait3A_71 = arith.constant 0 : i32
      %dma_wait3A_72 = tpu.memref_slice %arg2[%add3A_10, %dma_wait3A_71] : memref<10000x128xf32, #tpu.memory_space<hbm>> -> memref<80x128xf32, #tpu.memory_space<hbm>>
      %dma_wait3A_73 = arith.constant 0 : i32
      %dma_wait3A_74 = arith.constant 0 : i32
      %dma_wait3A_75 = tpu.memref_slice %arg7[%dma_wait3A_73, %dma_wait3A_74] : memref<80x128xf32, #tpu.memory_space<vmem>> -> memref<80x128xf32, #tpu.memory_space<vmem>>
      %dma_wait3A_76 = arith.constant 0 : i32
      %dma_wait3A_77 = tpu.memref_slice %arg2[%add3A_10, %dma_wait3A_76] : memref<10000x128xf32, #tpu.memory_space<hbm>> -> memref<80x128xf32, #tpu.memory_space<hbm>>
      tpu.wait_dma2 semaphore(%run_scoped3A : memref<!tpu.dma_semaphore, #tpu.memory_space<semaphore_mem>>) src(%dma_wait3A_77 : memref<80x128xf32, #tpu.memory_space<hbm>>) dst(%dma_wait3A_75 : memref<80x128xf32, #tpu.memory_space<vmem>>)
      tpu.yield
    }) : () -> ()
    %add3A_11 = arith.constant 80 : i32
    %add3A_12 = arith.addi %mul3A_4, %add3A_11 : i32
    "tpu.region"() ({
      %run_scoped3A = tpu.sem_alloc : memref<!tpu.dma_semaphore, #tpu.memory_space<semaphore_mem>>
      %dma_start3A_58 = arith.constant 0 : i32
      %dma_start3A_59 = arith.constant 0 : i32
      %dma_start3A_60 = tpu.memref_slice %arg7[%dma_start3A_58, %dma_start3A_59] : memref<80x128xf32, #tpu.memory_space<vmem>> -> memref<80x128xf32, #tpu.memory_space<vmem>>
      %dma_start3A_61 = arith.constant 0 : i32
      %dma_start3A_62 = tpu.memref_slice %arg5[%add3A_12, %dma_start3A_61] : memref<10000x128xf32, #tpu.memory_space<vmem_shared>> -> memref<80x128xf32, #tpu.memory_space<vmem_shared>>
      %dma_start3A_63 = arith.constant 0 : i32
      %dma_start3A_64 = tpu.memref_slice %arg5[%add3A_12, %dma_start3A_63] : memref<10000x128xf32, #tpu.memory_space<vmem_shared>> -> memref<80x128xf32, #tpu.memory_space<vmem_shared>>
      %dma_start3A_65 = arith.constant 0 : i32
      %dma_start3A_66 = arith.constant 0 : i32
      %dma_start3A_67 = tpu.memref_slice %arg7[%dma_start3A_65, %dma_start3A_66] : memref<80x128xf32, #tpu.memory_space<vmem>> -> memref<80x128xf32, #tpu.memory_space<vmem>>
      tpu.enqueue_dma source(%dma_start3A_67 : memref<80x128xf32, #tpu.memory_space<vmem>>) target(%dma_start3A_64 : memref<80x128xf32, #tpu.memory_space<vmem_shared>>) target_semaphore(%run_scoped3A : memref<!tpu.dma_semaphore, #tpu.memory_space<semaphore_mem>>)
      %dma_wait3A_68 = arith.constant 0 : i32
      %dma_wait3A_69 = arith.constant 0 : i32
      %dma_wait3A_70 = tpu.memref_slice %arg7[%dma_wait3A_68, %dma_wait3A_69] : memref<80x128xf32, #tpu.memory_space<vmem>> -> memref<80x128xf32, #tpu.memory_space<vmem>>
      %dma_wait3A_71 = arith.constant 0 : i32
      %dma_wait3A_72 = tpu.memref_slice %arg5[%add3A_12, %dma_wait3A_71] : memref<10000x128xf32, #tpu.memory_space<vmem_shared>> -> memref<80x128xf32, #tpu.memory_space<vmem_shared>>
      %dma_wait3A_73 = arith.constant 0 : i32
      %dma_wait3A_74 = tpu.memref_slice %arg5[%add3A_12, %dma_wait3A_73] : memref<10000x128xf32, #tpu.memory_space<vmem_shared>> -> memref<80x128xf32, #tpu.memory_space<vmem_shared>>
      %dma_wait3A_75 = arith.constant 0 : i32
      %dma_wait3A_76 = arith.constant 0 : i32
      %dma_wait3A_77 = tpu.memref_slice %arg7[%dma_wait3A_75, %dma_wait3A_76] : memref<80x128xf32, #tpu.memory_space<vmem>> -> memref<80x128xf32, #tpu.memory_space<vmem>>
      tpu.wait_dma2 semaphore(%run_scoped3A : memref<!tpu.dma_semaphore, #tpu.memory_space<semaphore_mem>>) src(%dma_wait3A_77 : memref<80x128xf32, #tpu.memory_space<vmem>>) dst(%dma_wait3A_74 : memref<80x128xf32, #tpu.memory_space<vmem_shared>>)
      tpu.yield
    }) : () -> ()
    %add3A_13 = arith.constant 160 : i32
    %add3A_14 = arith.addi %mul3A_4, %add3A_13 : i32
    "tpu.region"() ({
      %run_scoped3A = tpu.sem_alloc : memref<!tpu.dma_semaphore, #tpu.memory_space<semaphore_mem>>
      %dma_start3A_58 = arith.constant 0 : i32
      %dma_start3A_59 = arith.constant 0 : i32
      %dma_start3A_60 = tpu.memref_slice %arg7[%dma_start3A_58, %dma_start3A_59] : memref<80x128xf32, #tpu.memory_space<vmem>> -> memref<80x128xf32, #tpu.memory_space<vmem>>
      %dma_start3A_61 = arith.constant 0 : i32
      %dma_start3A_62 = tpu.memref_slice %arg2[%add3A_14, %dma_start3A_61] : memref<10000x128xf32, #tpu.memory_space<hbm>> -> memref<80x128xf32, #tpu.memory_space<hbm>>
      %dma_start3A_63 = arith.constant 0 : i32
      %dma_start3A_64 = arith.constant 0 : i32
      %dma_start3A_65 = tpu.memref_slice %arg7[%dma_start3A_63, %dma_start3A_64] : memref<80x128xf32, #tpu.memory_space<vmem>> -> memref<80x128xf32, #tpu.memory_space<vmem>>
      %dma_start3A_66 = arith.constant 0 : i32
      %dma_start3A_67 = tpu.memref_slice %arg2[%add3A_14, %dma_start3A_66] : memref<10000x128xf32, #tpu.memory_space<hbm>> -> memref<80x128xf32, #tpu.memory_space<hbm>>
      tpu.enqueue_dma source(%dma_start3A_67 : memref<80x128xf32, #tpu.memory_space<hbm>>) target(%dma_start3A_65 : memref<80x128xf32, #tpu.memory_space<vmem>>) target_semaphore(%run_scoped3A : memref<!tpu.dma_semaphore, #tpu.memory_space<semaphore_mem>>)
      %dma_wait3A_68 = arith.constant 0 : i32
      %dma_wait3A_69 = arith.constant 0 : i32
      %dma_wait3A_70 = tpu.memref_slice %arg7[%dma_wait3A_68, %dma_wait3A_69] : memref<80x128xf32, #tpu.memory_space<vmem>> -> memref<80x128xf32, #tpu.memory_space<vmem>>
      %dma_wait3A_71 = arith.constant 0 : i32
      %dma_wait3A_72 = tpu.memref_slice %arg2[%add3A_14, %dma_wait3A_71] : memref<10000x128xf32, #tpu.memory_space<hbm>> -> memref<80x128xf32, #tpu.memory_space<hbm>>
      %dma_wait3A_73 = arith.constant 0 : i32
      %dma_wait3A_74 = arith.constant 0 : i32
      %dma_wait3A_75 = tpu.memref_slice %arg7[%dma_wait3A_73, %dma_wait3A_74] : memref<80x128xf32, #tpu.memory_space<vmem>> -> memref<80x128xf32, #tpu.memory_space<vmem>>
      %dma_wait3A_76 = arith.constant 0 : i32
      %dma_wait3A_77 = tpu.memref_slice %arg2[%add3A_14, %dma_wait3A_76] : memref<10000x128xf32, #tpu.memory_space<hbm>> -> memref<80x128xf32, #tpu.memory_space<hbm>>
      tpu.wait_dma2 semaphore(%run_scoped3A : memref<!tpu.dma_semaphore, #tpu.memory_space<semaphore_mem>>) src(%dma_wait3A_77 : memref<80x128xf32, #tpu.memory_space<hbm>>) dst(%dma_wait3A_75 : memref<80x128xf32, #tpu.memory_space<vmem>>)
      tpu.yield
    }) : () -> ()
    %add3A_15 = arith.constant 160 : i32
    %add3A_16 = arith.addi %mul3A_4, %add3A_15 : i32
    "tpu.region"() ({
      %run_scoped3A = tpu.sem_alloc : memref<!tpu.dma_semaphore, #tpu.memory_space<semaphore_mem>>
      %dma_start3A_58 = arith.constant 0 : i32
      %dma_start3A_59 = arith.constant 0 : i32
      %dma_start3A_60 = tpu.memref_slice %arg7[%dma_start3A_58, %dma_start3A_59] : memref<80x128xf32, #tpu.memory_space<vmem>> -> memref<80x128xf32, #tpu.memory_space<vmem>>
      %dma_start3A_61 = arith.constant 0 : i32
      %dma_start3A_62 = tpu.memref_slice %arg5[%add3A_16, %dma_start3A_61] : memref<10000x128xf32, #tpu.memory_space<vmem_shared>> -> memref<80x128xf32, #tpu.memory_space<vmem_shared>>
      %dma_start3A_63 = arith.constant 0 : i32
      %dma_start3A_64 = tpu.memref_slice %arg5[%add3A_16, %dma_start3A_63] : memref<10000x128xf32, #tpu.memory_space<vmem_shared>> -> memref<80x128xf32, #tpu.memory_space<vmem_shared>>
      %dma_start3A_65 = arith.constant 0 : i32
      %dma_start3A_66 = arith.constant 0 : i32
      %dma_start3A_67 = tpu.memref_slice %arg7[%dma_start3A_65, %dma_start3A_66] : memref<80x128xf32, #tpu.memory_space<vmem>> -> memref<80x128xf32, #tpu.memory_space<vmem>>
      tpu.enqueue_dma source(%dma_start3A_67 : memref<80x128xf32, #tpu.memory_space<vmem>>) target(%dma_start3A_64 : memref<80x128xf32, #tpu.memory_space<vmem_shared>>) target_semaphore(%run_scoped3A : memref<!tpu.dma_semaphore, #tpu.memory_space<semaphore_mem>>)
      %dma_wait3A_68 = arith.constant 0 : i32
      %dma_wait3A_69 = arith.constant 0 : i32
      %dma_wait3A_70 = tpu.memref_slice %arg7[%dma_wait3A_68, %dma_wait3A_69] : memref<80x128xf32, #tpu.memory_space<vmem>> -> memref<80x128xf32, #tpu.memory_space<vmem>>
      %dma_wait3A_71 = arith.constant 0 : i32
      %dma_wait3A_72 = tpu.memref_slice %arg5[%add3A_16, %dma_wait3A_71] : memref<10000x128xf32, #tpu.memory_space<vmem_shared>> -> memref<80x128xf32, #tpu.memory_space<vmem_shared>>
      %dma_wait3A_73 = arith.constant 0 : i32
      %dma_wait3A_74 = tpu.memref_slice %arg5[%add3A_16, %dma_wait3A_73] : memref<10000x128xf32, #tpu.memory_space<vmem_shared>> -> memref<80x128xf32, #tpu.memory_space<vmem_shared>>
      %dma_wait3A_75 = arith.constant 0 : i32
      %dma_wait3A_76 = arith.constant 0 : i32
      %dma_wait3A_77 = tpu.memref_slice %arg7[%dma_wait3A_75, %dma_wait3A_76] : memref<80x128xf32, #tpu.memory_space<vmem>> -> memref<80x128xf32, #tpu.memory_space<vmem>>
      tpu.wait_dma2 semaphore(%run_scoped3A : memref<!tpu.dma_semaphore, #tpu.memory_space<semaphore_mem>>) src(%dma_wait3A_77 : memref<80x128xf32, #tpu.memory_space<vmem>>) dst(%dma_wait3A_74 : memref<80x128xf32, #tpu.memory_space<vmem_shared>>)
      tpu.yield
    }) : () -> ()
    %add3A_17 = arith.constant 240 : i32
    %add3A_18 = arith.addi %mul3A_4, %add3A_17 : i32
    "tpu.region"() ({
      %run_scoped3A = tpu.sem_alloc : memref<!tpu.dma_semaphore, #tpu.memory_space<semaphore_mem>>
      %dma_start3A_58 = arith.constant 0 : i32
      %dma_start3A_59 = arith.constant 0 : i32
      %dma_start3A_60 = tpu.memref_slice %arg7[%dma_start3A_58, %dma_start3A_59] : memref<80x128xf32, #tpu.memory_space<vmem>> -> memref<80x128xf32, #tpu.memory_space<vmem>>
      %dma_start3A_61 = arith.constant 0 : i32
      %dma_start3A_62 = tpu.memref_slice %arg2[%add3A_18, %dma_start3A_61] : memref<10000x128xf32, #tpu.memory_space<hbm>> -> memref<80x128xf32, #tpu.memory_space<hbm>>
      %dma_start3A_63 = arith.constant 0 : i32
      %dma_start3A_64 = arith.constant 0 : i32
      %dma_start3A_65 = tpu.memref_slice %arg7[%dma_start3A_63, %dma_start3A_64] : memref<80x128xf32, #tpu.memory_space<vmem>> -> memref<80x128xf32, #tpu.memory_space<vmem>>
      %dma_start3A_66 = arith.constant 0 : i32
      %dma_start3A_67 = tpu.memref_slice %arg2[%add3A_18, %dma_start3A_66] : memref<10000x128xf32, #tpu.memory_space<hbm>> -> memref<80x128xf32, #tpu.memory_space<hbm>>
      tpu.enqueue_dma source(%dma_start3A_67 : memref<80x128xf32, #tpu.memory_space<hbm>>) target(%dma_start3A_65 : memref<80x128xf32, #tpu.memory_space<vmem>>) target_semaphore(%run_scoped3A : memref<!tpu.dma_semaphore, #tpu.memory_space<semaphore_mem>>)
      %dma_wait3A_68 = arith.constant 0 : i32
      %dma_wait3A_69 = arith.constant 0 : i32
      %dma_wait3A_70 = tpu.memref_slice %arg7[%dma_wait3A_68, %dma_wait3A_69] : memref<80x128xf32, #tpu.memory_space<vmem>> -> memref<80x128xf32, #tpu.memory_space<vmem>>
      %dma_wait3A_71 = arith.constant 0 : i32
      %dma_wait3A_72 = tpu.memref_slice %arg2[%add3A_18, %dma_wait3A_71] : memref<10000x128xf32, #tpu.memory_space<hbm>> -> memref<80x128xf32, #tpu.memory_space<hbm>>
      %dma_wait3A_73 = arith.constant 0 : i32
      %dma_wait3A_74 = arith.constant 0 : i32
      %dma_wait3A_75 = tpu.memref_slice %arg7[%dma_wait3A_73, %dma_wait3A_74] : memref<80x128xf32, #tpu.memory_space<vmem>> -> memref<80x128xf32, #tpu.memory_space<vmem>>
      %dma_wait3A_76 = arith.constant 0 : i32
      %dma_wait3A_77 = tpu.memref_slice %arg2[%add3A_18, %dma_wait3A_76] : memref<10000x128xf32, #tpu.memory_space<hbm>> -> memref<80x128xf32, #tpu.memory_space<hbm>>
      tpu.wait_dma2 semaphore(%run_scoped3A : memref<!tpu.dma_semaphore, #tpu.memory_space<semaphore_mem>>) src(%dma_wait3A_77 : memref<80x128xf32, #tpu.memory_space<hbm>>) dst(%dma_wait3A_75 : memref<80x128xf32, #tpu.memory_space<vmem>>)
      tpu.yield
    }) : () -> ()
    %add3A_19 = arith.constant 240 : i32
    %add3A_20 = arith.addi %mul3A_4, %add3A_19 : i32
    "tpu.region"() ({
      %run_scoped3A = tpu.sem_alloc : memref<!tpu.dma_semaphore, #tpu.memory_space<semaphore_mem>>
      %dma_start3A_58 = arith.constant 0 : i32
      %dma_start3A_59 = arith.constant 0 : i32
      %dma_start3A_60 = tpu.memref_slice %arg7[%dma_start3A_58, %dma_start3A_59] : memref<80x128xf32, #tpu.memory_space<vmem>> -> memref<80x128xf32, #tpu.memory_space<vmem>>
      %dma_start3A_61 = arith.constant 0 : i32
      %dma_start3A_62 = tpu.memref_slice %arg5[%add3A_20, %dma_start3A_61] : memref<10000x128xf32, #tpu.memory_space<vmem_shared>> -> memref<80x128xf32, #tpu.memory_space<vmem_shared>>
      %dma_start3A_63 = arith.constant 0 : i32
      %dma_start3A_64 = tpu.memref_slice %arg5[%add3A_20, %dma_start3A_63] : memref<10000x128xf32, #tpu.memory_space<vmem_shared>> -> memref<80x128xf32, #tpu.memory_space<vmem_shared>>
      %dma_start3A_65 = arith.constant 0 : i32
      %dma_start3A_66 = arith.constant 0 : i32
      %dma_start3A_67 = tpu.memref_slice %arg7[%dma_start3A_65, %dma_start3A_66] : memref<80x128xf32, #tpu.memory_space<vmem>> -> memref<80x128xf32, #tpu.memory_space<vmem>>
      tpu.enqueue_dma source(%dma_start3A_67 : memref<80x128xf32, #tpu.memory_space<vmem>>) target(%dma_start3A_64 : memref<80x128xf32, #tpu.memory_space<vmem_shared>>) target_semaphore(%run_scoped3A : memref<!tpu.dma_semaphore, #tpu.memory_space<semaphore_mem>>)
      %dma_wait3A_68 = arith.constant 0 : i32
      %dma_wait3A_69 = arith.constant 0 : i32
      %dma_wait3A_70 = tpu.memref_slice %arg7[%dma_wait3A_68, %dma_wait3A_69] : memref<80x128xf32, #tpu.memory_space<vmem>> -> memref<80x128xf32, #tpu.memory_space<vmem>>
      %dma_wait3A_71 = arith.constant 0 : i32
      %dma_wait3A_72 = tpu.memref_slice %arg5[%add3A_20, %dma_wait3A_71] : memref<10000x128xf32, #tpu.memory_space<vmem_shared>> -> memref<80x128xf32, #tpu.memory_space<vmem_shared>>
      %dma_wait3A_73 = arith.constant 0 : i32
      %dma_wait3A_74 = tpu.memref_slice %arg5[%add3A_20, %dma_wait3A_73] : memref<10000x128xf32, #tpu.memory_space<vmem_shared>> -> memref<80x128xf32, #tpu.memory_space<vmem_shared>>
      %dma_wait3A_75 = arith.constant 0 : i32
      %dma_wait3A_76 = arith.constant 0 : i32
      %dma_wait3A_77 = tpu.memref_slice %arg7[%dma_wait3A_75, %dma_wait3A_76] : memref<80x128xf32, #tpu.memory_space<vmem>> -> memref<80x128xf32, #tpu.memory_space<vmem>>
      tpu.wait_dma2 semaphore(%run_scoped3A : memref<!tpu.dma_semaphore, #tpu.memory_space<semaphore_mem>>) src(%dma_wait3A_77 : memref<80x128xf32, #tpu.memory_space<vmem>>) dst(%dma_wait3A_74 : memref<80x128xf32, #tpu.memory_space<vmem_shared>>)
      tpu.yield
    }) : () -> ()
    %add3A_21 = arith.constant 320 : i32
    %add3A_22 = arith.addi %mul3A_4, %add3A_21 : i32
    "tpu.region"() ({
      %run_scoped3A = tpu.sem_alloc : memref<!tpu.dma_semaphore, #tpu.memory_space<semaphore_mem>>
      %dma_start3A_58 = arith.constant 0 : i32
      %dma_start3A_59 = arith.constant 0 : i32
      %dma_start3A_60 = tpu.memref_slice %arg7[%dma_start3A_58, %dma_start3A_59] : memref<80x128xf32, #tpu.memory_space<vmem>> -> memref<80x128xf32, #tpu.memory_space<vmem>>
      %dma_start3A_61 = arith.constant 0 : i32
      %dma_start3A_62 = tpu.memref_slice %arg2[%add3A_22, %dma_start3A_61] : memref<10000x128xf32, #tpu.memory_space<hbm>> -> memref<80x128xf32, #tpu.memory_space<hbm>>
      %dma_start3A_63 = arith.constant 0 : i32
      %dma_start3A_64 = arith.constant 0 : i32
      %dma_start3A_65 = tpu.memref_slice %arg7[%dma_start3A_63, %dma_start3A_64] : memref<80x128xf32, #tpu.memory_space<vmem>> -> memref<80x128xf32, #tpu.memory_space<vmem>>
      %dma_start3A_66 = arith.constant 0 : i32
      %dma_start3A_67 = tpu.memref_slice %arg2[%add3A_22, %dma_start3A_66] : memref<10000x128xf32, #tpu.memory_space<hbm>> -> memref<80x128xf32, #tpu.memory_space<hbm>>
      tpu.enqueue_dma source(%dma_start3A_67 : memref<80x128xf32, #tpu.memory_space<hbm>>) target(%dma_start3A_65 : memref<80x128xf32, #tpu.memory_space<vmem>>) target_semaphore(%run_scoped3A : memref<!tpu.dma_semaphore, #tpu.memory_space<semaphore_mem>>)
      %dma_wait3A_68 = arith.constant 0 : i32
      %dma_wait3A_69 = arith.constant 0 : i32
      %dma_wait3A_70 = tpu.memref_slice %arg7[%dma_wait3A_68, %dma_wait3A_69] : memref<80x128xf32, #tpu.memory_space<vmem>> -> memref<80x128xf32, #tpu.memory_space<vmem>>
      %dma_wait3A_71 = arith.constant 0 : i32
      %dma_wait3A_72 = tpu.memref_slice %arg2[%add3A_22, %dma_wait3A_71] : memref<10000x128xf32, #tpu.memory_space<hbm>> -> memref<80x128xf32, #tpu.memory_space<hbm>>
      %dma_wait3A_73 = arith.constant 0 : i32
      %dma_wait3A_74 = arith.constant 0 : i32
      %dma_wait3A_75 = tpu.memref_slice %arg7[%dma_wait3A_73, %dma_wait3A_74] : memref<80x128xf32, #tpu.memory_space<vmem>> -> memref<80x128xf32, #tpu.memory_space<vmem>>
      %dma_wait3A_76 = arith.constant 0 : i32
      %dma_wait3A_77 = tpu.memref_slice %arg2[%add3A_22, %dma_wait3A_76] : memref<10000x128xf32, #tpu.memory_space<hbm>> -> memref<80x128xf32, #tpu.memory_space<hbm>>
      tpu.wait_dma2 semaphore(%run_scoped3A : memref<!tpu.dma_semaphore, #tpu.memory_space<semaphore_mem>>) src(%dma_wait3A_77 : memref<80x128xf32, #tpu.memory_space<hbm>>) dst(%dma_wait3A_75 : memref<80x128xf32, #tpu.memory_space<vmem>>)
      tpu.yield
    }) : () -> ()
    %add3A_23 = arith.constant 320 : i32
    %add3A_24 = arith.addi %mul3A_4, %add3A_23 : i32
    "tpu.region"() ({
      %run_scoped3A = tpu.sem_alloc : memref<!tpu.dma_semaphore, #tpu.memory_space<semaphore_mem>>
      %dma_start3A_58 = arith.constant 0 : i32
      %dma_start3A_59 = arith.constant 0 : i32
      %dma_start3A_60 = tpu.memref_slice %arg7[%dma_start3A_58, %dma_start3A_59] : memref<80x128xf32, #tpu.memory_space<vmem>> -> memref<80x128xf32, #tpu.memory_space<vmem>>
      %dma_start3A_61 = arith.constant 0 : i32
      %dma_start3A_62 = tpu.memref_slice %arg5[%add3A_24, %dma_start3A_61] : memref<10000x128xf32, #tpu.memory_space<vmem_shared>> -> memref<80x128xf32, #tpu.memory_space<vmem_shared>>
      %dma_start3A_63 = arith.constant 0 : i32
      %dma_start3A_64 = tpu.memref_slice %arg5[%add3A_24, %dma_start3A_63] : memref<10000x128xf32, #tpu.memory_space<vmem_shared>> -> memref<80x128xf32, #tpu.memory_space<vmem_shared>>
      %dma_start3A_65 = arith.constant 0 : i32
      %dma_start3A_66 = arith.constant 0 : i32
      %dma_start3A_67 = tpu.memref_slice %arg7[%dma_start3A_65, %dma_start3A_66] : memref<80x128xf32, #tpu.memory_space<vmem>> -> memref<80x128xf32, #tpu.memory_space<vmem>>
      tpu.enqueue_dma source(%dma_start3A_67 : memref<80x128xf32, #tpu.memory_space<vmem>>) target(%dma_start3A_64 : memref<80x128xf32, #tpu.memory_space<vmem_shared>>) target_semaphore(%run_scoped3A : memref<!tpu.dma_semaphore, #tpu.memory_space<semaphore_mem>>)
      %dma_wait3A_68 = arith.constant 0 : i32
      %dma_wait3A_69 = arith.constant 0 : i32
      %dma_wait3A_70 = tpu.memref_slice %arg7[%dma_wait3A_68, %dma_wait3A_69] : memref<80x128xf32, #tpu.memory_space<vmem>> -> memref<80x128xf32, #tpu.memory_space<vmem>>
      %dma_wait3A_71 = arith.constant 0 : i32
      %dma_wait3A_72 = tpu.memref_slice %arg5[%add3A_24, %dma_wait3A_71] : memref<10000x128xf32, #tpu.memory_space<vmem_shared>> -> memref<80x128xf32, #tpu.memory_space<vmem_shared>>
      %dma_wait3A_73 = arith.constant 0 : i32
      %dma_wait3A_74 = tpu.memref_slice %arg5[%add3A_24, %dma_wait3A_73] : memref<10000x128xf32, #tpu.memory_space<vmem_shared>> -> memref<80x128xf32, #tpu.memory_space<vmem_shared>>
      %dma_wait3A_75 = arith.constant 0 : i32
      %dma_wait3A_76 = arith.constant 0 : i32
      %dma_wait3A_77 = tpu.memref_slice %arg7[%dma_wait3A_75, %dma_wait3A_76] : memref<80x128xf32, #tpu.memory_space<vmem>> -> memref<80x128xf32, #tpu.memory_space<vmem>>
      tpu.wait_dma2 semaphore(%run_scoped3A : memref<!tpu.dma_semaphore, #tpu.memory_space<semaphore_mem>>) src(%dma_wait3A_77 : memref<80x128xf32, #tpu.memory_space<vmem>>) dst(%dma_wait3A_74 : memref<80x128xf32, #tpu.memory_space<vmem_shared>>)
      tpu.yield
    }) : () -> ()
    %add3A_25 = arith.constant 400 : i32
    %add3A_26 = arith.addi %mul3A_4, %add3A_25 : i32
    "tpu.region"() ({
      %run_scoped3A = tpu.sem_alloc : memref<!tpu.dma_semaphore, #tpu.memory_space<semaphore_mem>>
      %dma_start3A_58 = arith.constant 0 : i32
      %dma_start3A_59 = arith.constant 0 : i32
      %dma_start3A_60 = tpu.memref_slice %arg7[%dma_start3A_58, %dma_start3A_59] : memref<80x128xf32, #tpu.memory_space<vmem>> -> memref<80x128xf32, #tpu.memory_space<vmem>>
      %dma_start3A_61 = arith.constant 0 : i32
      %dma_start3A_62 = tpu.memref_slice %arg2[%add3A_26, %dma_start3A_61] : memref<10000x128xf32, #tpu.memory_space<hbm>> -> memref<80x128xf32, #tpu.memory_space<hbm>>
      %dma_start3A_63 = arith.constant 0 : i32
      %dma_start3A_64 = arith.constant 0 : i32
      %dma_start3A_65 = tpu.memref_slice %arg7[%dma_start3A_63, %dma_start3A_64] : memref<80x128xf32, #tpu.memory_space<vmem>> -> memref<80x128xf32, #tpu.memory_space<vmem>>
      %dma_start3A_66 = arith.constant 0 : i32
      %dma_start3A_67 = tpu.memref_slice %arg2[%add3A_26, %dma_start3A_66] : memref<10000x128xf32, #tpu.memory_space<hbm>> -> memref<80x128xf32, #tpu.memory_space<hbm>>
      tpu.enqueue_dma source(%dma_start3A_67 : memref<80x128xf32, #tpu.memory_space<hbm>>) target(%dma_start3A_65 : memref<80x128xf32, #tpu.memory_space<vmem>>) target_semaphore(%run_scoped3A : memref<!tpu.dma_semaphore, #tpu.memory_space<semaphore_mem>>)
      %dma_wait3A_68 = arith.constant 0 : i32
      %dma_wait3A_69 = arith.constant 0 : i32
      %dma_wait3A_70 = tpu.memref_slice %arg7[%dma_wait3A_68, %dma_wait3A_69] : memref<80x128xf32, #tpu.memory_space<vmem>> -> memref<80x128xf32, #tpu.memory_space<vmem>>
      %dma_wait3A_71 = arith.constant 0 : i32
      %dma_wait3A_72 = tpu.memref_slice %arg2[%add3A_26, %dma_wait3A_71] : memref<10000x128xf32, #tpu.memory_space<hbm>> -> memref<80x128xf32, #tpu.memory_space<hbm>>
      %dma_wait3A_73 = arith.constant 0 : i32
      %dma_wait3A_74 = arith.constant 0 : i32
      %dma_wait3A_75 = tpu.memref_slice %arg7[%dma_wait3A_73, %dma_wait3A_74] : memref<80x128xf32, #tpu.memory_space<vmem>> -> memref<80x128xf32, #tpu.memory_space<vmem>>
      %dma_wait3A_76 = arith.constant 0 : i32
      %dma_wait3A_77 = tpu.memref_slice %arg2[%add3A_26, %dma_wait3A_76] : memref<10000x128xf32, #tpu.memory_space<hbm>> -> memref<80x128xf32, #tpu.memory_space<hbm>>
      tpu.wait_dma2 semaphore(%run_scoped3A : memref<!tpu.dma_semaphore, #tpu.memory_space<semaphore_mem>>) src(%dma_wait3A_77 : memref<80x128xf32, #tpu.memory_space<hbm>>) dst(%dma_wait3A_75 : memref<80x128xf32, #tpu.memory_space<vmem>>)
      tpu.yield
    }) : () -> ()
    %add3A_27 = arith.constant 400 : i32
    %add3A_28 = arith.addi %mul3A_4, %add3A_27 : i32
    "tpu.region"() ({
      %run_scoped3A = tpu.sem_alloc : memref<!tpu.dma_semaphore, #tpu.memory_space<semaphore_mem>>
      %dma_start3A_58 = arith.constant 0 : i32
      %dma_start3A_59 = arith.constant 0 : i32
      %dma_start3A_60 = tpu.memref_slice %arg7[%dma_start3A_58, %dma_start3A_59] : memref<80x128xf32, #tpu.memory_space<vmem>> -> memref<80x128xf32, #tpu.memory_space<vmem>>
      %dma_start3A_61 = arith.constant 0 : i32
      %dma_start3A_62 = tpu.memref_slice %arg5[%add3A_28, %dma_start3A_61] : memref<10000x128xf32, #tpu.memory_space<vmem_shared>> -> memref<80x128xf32, #tpu.memory_space<vmem_shared>>
      %dma_start3A_63 = arith.constant 0 : i32
      %dma_start3A_64 = tpu.memref_slice %arg5[%add3A_28, %dma_start3A_63] : memref<10000x128xf32, #tpu.memory_space<vmem_shared>> -> memref<80x128xf32, #tpu.memory_space<vmem_shared>>
      %dma_start3A_65 = arith.constant 0 : i32
      %dma_start3A_66 = arith.constant 0 : i32
      %dma_start3A_67 = tpu.memref_slice %arg7[%dma_start3A_65, %dma_start3A_66] : memref<80x128xf32, #tpu.memory_space<vmem>> -> memref<80x128xf32, #tpu.memory_space<vmem>>
      tpu.enqueue_dma source(%dma_start3A_67 : memref<80x128xf32, #tpu.memory_space<vmem>>) target(%dma_start3A_64 : memref<80x128xf32, #tpu.memory_space<vmem_shared>>) target_semaphore(%run_scoped3A : memref<!tpu.dma_semaphore, #tpu.memory_space<semaphore_mem>>)
      %dma_wait3A_68 = arith.constant 0 : i32
      %dma_wait3A_69 = arith.constant 0 : i32
      %dma_wait3A_70 = tpu.memref_slice %arg7[%dma_wait3A_68, %dma_wait3A_69] : memref<80x128xf32, #tpu.memory_space<vmem>> -> memref<80x128xf32, #tpu.memory_space<vmem>>
      %dma_wait3A_71 = arith.constant 0 : i32
      %dma_wait3A_72 = tpu.memref_slice %arg5[%add3A_28, %dma_wait3A_71] : memref<10000x128xf32, #tpu.memory_space<vmem_shared>> -> memref<80x128xf32, #tpu.memory_space<vmem_shared>>
      %dma_wait3A_73 = arith.constant 0 : i32
      %dma_wait3A_74 = tpu.memref_slice %arg5[%add3A_28, %dma_wait3A_73] : memref<10000x128xf32, #tpu.memory_space<vmem_shared>> -> memref<80x128xf32, #tpu.memory_space<vmem_shared>>
      %dma_wait3A_75 = arith.constant 0 : i32
      %dma_wait3A_76 = arith.constant 0 : i32
      %dma_wait3A_77 = tpu.memref_slice %arg7[%dma_wait3A_75, %dma_wait3A_76] : memref<80x128xf32, #tpu.memory_space<vmem>> -> memref<80x128xf32, #tpu.memory_space<vmem>>
      tpu.wait_dma2 semaphore(%run_scoped3A : memref<!tpu.dma_semaphore, #tpu.memory_space<semaphore_mem>>) src(%dma_wait3A_77 : memref<80x128xf32, #tpu.memory_space<vmem>>) dst(%dma_wait3A_74 : memref<80x128xf32, #tpu.memory_space<vmem_shared>>)
      tpu.yield
    }) : () -> ()
    %add3A_29 = arith.constant 480 : i32
    %add3A_30 = arith.addi %mul3A_4, %add3A_29 : i32
    "tpu.region"() ({
      %run_scoped3A = tpu.sem_alloc : memref<!tpu.dma_semaphore, #tpu.memory_space<semaphore_mem>>
      %dma_start3A_58 = arith.constant 0 : i32
      %dma_start3A_59 = arith.constant 0 : i32
      %dma_start3A_60 = tpu.memref_slice %arg7[%dma_start3A_58, %dma_start3A_59] : memref<80x128xf32, #tpu.memory_space<vmem>> -> memref<80x128xf32, #tpu.memory_space<vmem>>
      %dma_start3A_61 = arith.constant 0 : i32
      %dma_start3A_62 = tpu.memref_slice %arg2[%add3A_30, %dma_start3A_61] : memref<10000x128xf32, #tpu.memory_space<hbm>> -> memref<80x128xf32, #tpu.memory_space<hbm>>
      %dma_start3A_63 = arith.constant 0 : i32
      %dma_start3A_64 = arith.constant 0 : i32
      %dma_start3A_65 = tpu.memref_slice %arg7[%dma_start3A_63, %dma_start3A_64] : memref<80x128xf32, #tpu.memory_space<vmem>> -> memref<80x128xf32, #tpu.memory_space<vmem>>
      %dma_start3A_66 = arith.constant 0 : i32
      %dma_start3A_67 = tpu.memref_slice %arg2[%add3A_30, %dma_start3A_66] : memref<10000x128xf32, #tpu.memory_space<hbm>> -> memref<80x128xf32, #tpu.memory_space<hbm>>
      tpu.enqueue_dma source(%dma_start3A_67 : memref<80x128xf32, #tpu.memory_space<hbm>>) target(%dma_start3A_65 : memref<80x128xf32, #tpu.memory_space<vmem>>) target_semaphore(%run_scoped3A : memref<!tpu.dma_semaphore, #tpu.memory_space<semaphore_mem>>)
      %dma_wait3A_68 = arith.constant 0 : i32
      %dma_wait3A_69 = arith.constant 0 : i32
      %dma_wait3A_70 = tpu.memref_slice %arg7[%dma_wait3A_68, %dma_wait3A_69] : memref<80x128xf32, #tpu.memory_space<vmem>> -> memref<80x128xf32, #tpu.memory_space<vmem>>
      %dma_wait3A_71 = arith.constant 0 : i32
      %dma_wait3A_72 = tpu.memref_slice %arg2[%add3A_30, %dma_wait3A_71] : memref<10000x128xf32, #tpu.memory_space<hbm>> -> memref<80x128xf32, #tpu.memory_space<hbm>>
      %dma_wait3A_73 = arith.constant 0 : i32
      %dma_wait3A_74 = arith.constant 0 : i32
      %dma_wait3A_75 = tpu.memref_slice %arg7[%dma_wait3A_73, %dma_wait3A_74] : memref<80x128xf32, #tpu.memory_space<vmem>> -> memref<80x128xf32, #tpu.memory_space<vmem>>
      %dma_wait3A_76 = arith.constant 0 : i32
      %dma_wait3A_77 = tpu.memref_slice %arg2[%add3A_30, %dma_wait3A_76] : memref<10000x128xf32, #tpu.memory_space<hbm>> -> memref<80x128xf32, #tpu.memory_space<hbm>>
      tpu.wait_dma2 semaphore(%run_scoped3A : memref<!tpu.dma_semaphore, #tpu.memory_space<semaphore_mem>>) src(%dma_wait3A_77 : memref<80x128xf32, #tpu.memory_space<hbm>>) dst(%dma_wait3A_75 : memref<80x128xf32, #tpu.memory_space<vmem>>)
      tpu.yield
    }) : () -> ()
    %add3A_31 = arith.constant 480 : i32
    %add3A_32 = arith.addi %mul3A_4, %add3A_31 : i32
    "tpu.region"() ({
      %run_scoped3A = tpu.sem_alloc : memref<!tpu.dma_semaphore, #tpu.memory_space<semaphore_mem>>
      %dma_start3A_58 = arith.constant 0 : i32
      %dma_start3A_59 = arith.constant 0 : i32
      %dma_start3A_60 = tpu.memref_slice %arg7[%dma_start3A_58, %dma_start3A_59] : memref<80x128xf32, #tpu.memory_space<vmem>> -> memref<80x128xf32, #tpu.memory_space<vmem>>
      %dma_start3A_61 = arith.constant 0 : i32
      %dma_start3A_62 = tpu.memref_slice %arg5[%add3A_32, %dma_start3A_61] : memref<10000x128xf32, #tpu.memory_space<vmem_shared>> -> memref<80x128xf32, #tpu.memory_space<vmem_shared>>
      %dma_start3A_63 = arith.constant 0 : i32
      %dma_start3A_64 = tpu.memref_slice %arg5[%add3A_32, %dma_start3A_63] : memref<10000x128xf32, #tpu.memory_space<vmem_shared>> -> memref<80x128xf32, #tpu.memory_space<vmem_shared>>
      %dma_start3A_65 = arith.constant 0 : i32
      %dma_start3A_66 = arith.constant 0 : i32
      %dma_start3A_67 = tpu.memref_slice %arg7[%dma_start3A_65, %dma_start3A_66] : memref<80x128xf32, #tpu.memory_space<vmem>> -> memref<80x128xf32, #tpu.memory_space<vmem>>
      tpu.enqueue_dma source(%dma_start3A_67 : memref<80x128xf32, #tpu.memory_space<vmem>>) target(%dma_start3A_64 : memref<80x128xf32, #tpu.memory_space<vmem_shared>>) target_semaphore(%run_scoped3A : memref<!tpu.dma_semaphore, #tpu.memory_space<semaphore_mem>>)
      %dma_wait3A_68 = arith.constant 0 : i32
      %dma_wait3A_69 = arith.constant 0 : i32
      %dma_wait3A_70 = tpu.memref_slice %arg7[%dma_wait3A_68, %dma_wait3A_69] : memref<80x128xf32, #tpu.memory_space<vmem>> -> memref<80x128xf32, #tpu.memory_space<vmem>>
      %dma_wait3A_71 = arith.constant 0 : i32
      %dma_wait3A_72 = tpu.memref_slice %arg5[%add3A_32, %dma_wait3A_71] : memref<10000x128xf32, #tpu.memory_space<vmem_shared>> -> memref<80x128xf32, #tpu.memory_space<vmem_shared>>
      %dma_wait3A_73 = arith.constant 0 : i32
      %dma_wait3A_74 = tpu.memref_slice %arg5[%add3A_32, %dma_wait3A_73] : memref<10000x128xf32, #tpu.memory_space<vmem_shared>> -> memref<80x128xf32, #tpu.memory_space<vmem_shared>>
      %dma_wait3A_75 = arith.constant 0 : i32
      %dma_wait3A_76 = arith.constant 0 : i32
      %dma_wait3A_77 = tpu.memref_slice %arg7[%dma_wait3A_75, %dma_wait3A_76] : memref<80x128xf32, #tpu.memory_space<vmem>> -> memref<80x128xf32, #tpu.memory_space<vmem>>
      tpu.wait_dma2 semaphore(%run_scoped3A : memref<!tpu.dma_semaphore, #tpu.memory_space<semaphore_mem>>) src(%dma_wait3A_77 : memref<80x128xf32, #tpu.memory_space<vmem>>) dst(%dma_wait3A_74 : memref<80x128xf32, #tpu.memory_space<vmem_shared>>)
      tpu.yield
    }) : () -> ()
    %add3A_33 = arith.constant 560 : i32
    %add3A_34 = arith.addi %mul3A_4, %add3A_33 : i32
    "tpu.region"() ({
      %run_scoped3A = tpu.sem_alloc : memref<!tpu.dma_semaphore, #tpu.memory_space<semaphore_mem>>
      %dma_start3A_58 = arith.constant 0 : i32
      %dma_start3A_59 = arith.constant 0 : i32
      %dma_start3A_60 = tpu.memref_slice %arg7[%dma_start3A_58, %dma_start3A_59] : memref<80x128xf32, #tpu.memory_space<vmem>> -> memref<64x128xf32, #tpu.memory_space<vmem>>
      %dma_start3A_61 = arith.constant 0 : i32
      %dma_start3A_62 = tpu.memref_slice %arg2[%add3A_34, %dma_start3A_61] : memref<10000x128xf32, #tpu.memory_space<hbm>> -> memref<64x128xf32, #tpu.memory_space<hbm>>
      %dma_start3A_63 = arith.constant 0 : i32
      %dma_start3A_64 = arith.constant 0 : i32
      %dma_start3A_65 = tpu.memref_slice %arg7[%dma_start3A_63, %dma_start3A_64] : memref<80x128xf32, #tpu.memory_space<vmem>> -> memref<64x128xf32, #tpu.memory_space<vmem>>
      %dma_start3A_66 = arith.constant 0 : i32
      %dma_start3A_67 = tpu.memref_slice %arg2[%add3A_34, %dma_start3A_66] : memref<10000x128xf32, #tpu.memory_space<hbm>> -> memref<64x128xf32, #tpu.memory_space<hbm>>
      tpu.enqueue_dma source(%dma_start3A_67 : memref<64x128xf32, #tpu.memory_space<hbm>>) target(%dma_start3A_65 : memref<64x128xf32, #tpu.memory_space<vmem>>) target_semaphore(%run_scoped3A : memref<!tpu.dma_semaphore, #tpu.memory_space<semaphore_mem>>)
      %dma_wait3A_68 = arith.constant 0 : i32
      %dma_wait3A_69 = arith.constant 0 : i32
      %dma_wait3A_70 = tpu.memref_slice %arg7[%dma_wait3A_68, %dma_wait3A_69] : memref<80x128xf32, #tpu.memory_space<vmem>> -> memref<64x128xf32, #tpu.memory_space<vmem>>
      %dma_wait3A_71 = arith.constant 0 : i32
      %dma_wait3A_72 = tpu.memref_slice %arg2[%add3A_34, %dma_wait3A_71] : memref<10000x128xf32, #tpu.memory_space<hbm>> -> memref<64x128xf32, #tpu.memory_space<hbm>>
      %dma_wait3A_73 = arith.constant 0 : i32
      %dma_wait3A_74 = arith.constant 0 : i32
      %dma_wait3A_75 = tpu.memref_slice %arg7[%dma_wait3A_73, %dma_wait3A_74] : memref<80x128xf32, #tpu.memory_space<vmem>> -> memref<64x128xf32, #tpu.memory_space<vmem>>
      %dma_wait3A_76 = arith.constant 0 : i32
      %dma_wait3A_77 = tpu.memref_slice %arg2[%add3A_34, %dma_wait3A_76] : memref<10000x128xf32, #tpu.memory_space<hbm>> -> memref<64x128xf32, #tpu.memory_space<hbm>>
      tpu.wait_dma2 semaphore(%run_scoped3A : memref<!tpu.dma_semaphore, #tpu.memory_space<semaphore_mem>>) src(%dma_wait3A_77 : memref<64x128xf32, #tpu.memory_space<hbm>>) dst(%dma_wait3A_75 : memref<64x128xf32, #tpu.memory_space<vmem>>)
      tpu.yield
    }) : () -> ()
    %add3A_35 = arith.constant 560 : i32
    %add3A_36 = arith.addi %mul3A_4, %add3A_35 : i32
    "tpu.region"() ({
      %run_scoped3A = tpu.sem_alloc : memref<!tpu.dma_semaphore, #tpu.memory_space<semaphore_mem>>
      %dma_start3A_58 = arith.constant 0 : i32
      %dma_start3A_59 = arith.constant 0 : i32
      %dma_start3A_60 = tpu.memref_slice %arg7[%dma_start3A_58, %dma_start3A_59] : memref<80x128xf32, #tpu.memory_space<vmem>> -> memref<64x128xf32, #tpu.memory_space<vmem>>
      %dma_start3A_61 = arith.constant 0 : i32
      %dma_start3A_62 = tpu.memref_slice %arg5[%add3A_36, %dma_start3A_61] : memref<10000x128xf32, #tpu.memory_space<vmem_shared>> -> memref<64x128xf32, #tpu.memory_space<vmem_shared>>
      %dma_start3A_63 = arith.constant 0 : i32
      %dma_start3A_64 = tpu.memref_slice %arg5[%add3A_36, %dma_start3A_63] : memref<10000x128xf32, #tpu.memory_space<vmem_shared>> -> memref<64x128xf32, #tpu.memory_space<vmem_shared>>
      %dma_start3A_65 = arith.constant 0 : i32
      %dma_start3A_66 = arith.constant 0 : i32
      %dma_start3A_67 = tpu.memref_slice %arg7[%dma_start3A_65, %dma_start3A_66] : memref<80x128xf32, #tpu.memory_space<vmem>> -> memref<64x128xf32, #tpu.memory_space<vmem>>
      tpu.enqueue_dma source(%dma_start3A_67 : memref<64x128xf32, #tpu.memory_space<vmem>>) target(%dma_start3A_64 : memref<64x128xf32, #tpu.memory_space<vmem_shared>>) target_semaphore(%run_scoped3A : memref<!tpu.dma_semaphore, #tpu.memory_space<semaphore_mem>>)
      %dma_wait3A_68 = arith.constant 0 : i32
      %dma_wait3A_69 = arith.constant 0 : i32
      %dma_wait3A_70 = tpu.memref_slice %arg7[%dma_wait3A_68, %dma_wait3A_69] : memref<80x128xf32, #tpu.memory_space<vmem>> -> memref<64x128xf32, #tpu.memory_space<vmem>>
      %dma_wait3A_71 = arith.constant 0 : i32
      %dma_wait3A_72 = tpu.memref_slice %arg5[%add3A_36, %dma_wait3A_71] : memref<10000x128xf32, #tpu.memory_space<vmem_shared>> -> memref<64x128xf32, #tpu.memory_space<vmem_shared>>
      %dma_wait3A_73 = arith.constant 0 : i32
      %dma_wait3A_74 = tpu.memref_slice %arg5[%add3A_36, %dma_wait3A_73] : memref<10000x128xf32, #tpu.memory_space<vmem_shared>> -> memref<64x128xf32, #tpu.memory_space<vmem_shared>>
      %dma_wait3A_75 = arith.constant 0 : i32
      %dma_wait3A_76 = arith.constant 0 : i32
      %dma_wait3A_77 = tpu.memref_slice %arg7[%dma_wait3A_75, %dma_wait3A_76] : memref<80x128xf32, #tpu.memory_space<vmem>> -> memref<64x128xf32, #tpu.memory_space<vmem>>
      tpu.wait_dma2 semaphore(%run_scoped3A : memref<!tpu.dma_semaphore, #tpu.memory_space<semaphore_mem>>) src(%dma_wait3A_77 : memref<64x128xf32, #tpu.memory_space<vmem>>) dst(%dma_wait3A_74 : memref<64x128xf32, #tpu.memory_space<vmem_shared>>)
      tpu.yield
    }) : () -> ()
    %eq3A = arith.constant 0 : i32
    %eq3A_37 = arith.cmpi eq, %arg1, %eq3A : i32
    %convert_element_type3A = arith.extui %eq3A_37 : i1 to i32
    %cond3A = arith.constant 0 : i32
    %cond3A_38 = arith.cmpi ne, %convert_element_type3A, %cond3A : i32
    scf.if %cond3A_38 {
      "tpu.region"() ({
        %run_scoped3A = tpu.sem_alloc : memref<!tpu.dma_semaphore, #tpu.memory_space<semaphore_mem>>
        %dma_start3A_58 = arith.constant 0 : i32
        %dma_start3A_59 = arith.constant 0 : i32
        %dma_start3A_60 = tpu.memref_slice %arg8[%dma_start3A_58, %dma_start3A_59] : memref<80x128xf32, #tpu.memory_space<vmem>> -> memref<16x128xf32, #tpu.memory_space<vmem>>
        %dma_start3A_61 = arith.constant 9984 : i32
        %dma_start3A_62 = arith.constant 0 : i32
        %dma_start3A_63 = tpu.memref_slice %arg2[%dma_start3A_61, %dma_start3A_62] : memref<10000x128xf32, #tpu.memory_space<hbm>> -> memref<16x128xf32, #tpu.memory_space<hbm>>
        %dma_start3A_64 = arith.constant 0 : i32
        %dma_start3A_65 = arith.constant 0 : i32
        %dma_start3A_66 = tpu.memref_slice %arg8[%dma_start3A_64, %dma_start3A_65] : memref<80x128xf32, #tpu.memory_space<vmem>> -> memref<16x128xf32, #tpu.memory_space<vmem>>
        %dma_start3A_67 = arith.constant 9984 : i32
        %dma_start3A_68 = arith.constant 0 : i32
        %dma_start3A_69 = tpu.memref_slice %arg2[%dma_start3A_67, %dma_start3A_68] : memref<10000x128xf32, #tpu.memory_space<hbm>> -> memref<16x128xf32, #tpu.memory_space<hbm>>
        tpu.enqueue_dma source(%dma_start3A_69 : memref<16x128xf32, #tpu.memory_space<hbm>>) target(%dma_start3A_66 : memref<16x128xf32, #tpu.memory_space<vmem>>) target_semaphore(%run_scoped3A : memref<!tpu.dma_semaphore, #tpu.memory_space<semaphore_mem>>)
        %dma_wait3A_70 = arith.constant 0 : i32
        %dma_wait3A_71 = arith.constant 0 : i32
        %dma_wait3A_72 = tpu.memref_slice %arg8[%dma_wait3A_70, %dma_wait3A_71] : memref<80x128xf32, #tpu.memory_space<vmem>> -> memref<16x128xf32, #tpu.memory_space<vmem>>
        %dma_wait3A_73 = arith.constant 9984 : i32
        %dma_wait3A_74 = arith.constant 0 : i32
        %dma_wait3A_75 = tpu.memref_slice %arg2[%dma_wait3A_73, %dma_wait3A_74] : memref<10000x128xf32, #tpu.memory_space<hbm>> -> memref<16x128xf32, #tpu.memory_space<hbm>>
        %dma_wait3A_76 = arith.constant 0 : i32
        %dma_wait3A_77 = arith.constant 0 : i32
        %dma_wait3A_78 = tpu.memref_slice %arg8[%dma_wait3A_76, %dma_wait3A_77] : memref<80x128xf32, #tpu.memory_space<vmem>> -> memref<16x128xf32, #tpu.memory_space<vmem>>
        %dma_wait3A_79 = arith.constant 9984 : i32
        %dma_wait3A_80 = arith.constant 0 : i32
        %dma_wait3A_81 = tpu.memref_slice %arg2[%dma_wait3A_79, %dma_wait3A_80] : memref<10000x128xf32, #tpu.memory_space<hbm>> -> memref<16x128xf32, #tpu.memory_space<hbm>>
        tpu.wait_dma2 semaphore(%run_scoped3A : memref<!tpu.dma_semaphore, #tpu.memory_space<semaphore_mem>>) src(%dma_wait3A_81 : memref<16x128xf32, #tpu.memory_space<hbm>>) dst(%dma_wait3A_78 : memref<16x128xf32, #tpu.memory_space<vmem>>)
        tpu.yield
      }) : () -> ()
      "tpu.region"() ({
        %run_scoped3A = tpu.sem_alloc : memref<!tpu.dma_semaphore, #tpu.memory_space<semaphore_mem>>
        %dma_start3A_58 = arith.constant 0 : i32
        %dma_start3A_59 = arith.constant 0 : i32
        %dma_start3A_60 = tpu.memref_slice %arg8[%dma_start3A_58, %dma_start3A_59] : memref<80x128xf32, #tpu.memory_space<vmem>> -> memref<16x128xf32, #tpu.memory_space<vmem>>
        %dma_start3A_61 = arith.constant 9984 : i32
        %dma_start3A_62 = arith.constant 0 : i32
        %dma_start3A_63 = tpu.memref_slice %arg5[%dma_start3A_61, %dma_start3A_62] : memref<10000x128xf32, #tpu.memory_space<vmem_shared>> -> memref<16x128xf32, #tpu.memory_space<vmem_shared>>
        %dma_start3A_64 = arith.constant 9984 : i32
        %dma_start3A_65 = arith.constant 0 : i32
        %dma_start3A_66 = tpu.memref_slice %arg5[%dma_start3A_64, %dma_start3A_65] : memref<10000x128xf32, #tpu.memory_space<vmem_shared>> -> memref<16x128xf32, #tpu.memory_space<vmem_shared>>
        %dma_start3A_67 = arith.constant 0 : i32
        %dma_start3A_68 = arith.constant 0 : i32
        %dma_start3A_69 = tpu.memref_slice %arg8[%dma_start3A_67, %dma_start3A_68] : memref<80x128xf32, #tpu.memory_space<vmem>> -> memref<16x128xf32, #tpu.memory_space<vmem>>
        tpu.enqueue_dma source(%dma_start3A_69 : memref<16x128xf32, #tpu.memory_space<vmem>>) target(%dma_start3A_66 : memref<16x128xf32, #tpu.memory_space<vmem_shared>>) target_semaphore(%run_scoped3A : memref<!tpu.dma_semaphore, #tpu.memory_space<semaphore_mem>>)
        %dma_wait3A_70 = arith.constant 0 : i32
        %dma_wait3A_71 = arith.constant 0 : i32
        %dma_wait3A_72 = tpu.memref_slice %arg8[%dma_wait3A_70, %dma_wait3A_71] : memref<80x128xf32, #tpu.memory_space<vmem>> -> memref<16x128xf32, #tpu.memory_space<vmem>>
        %dma_wait3A_73 = arith.constant 9984 : i32
        %dma_wait3A_74 = arith.constant 0 : i32
        %dma_wait3A_75 = tpu.memref_slice %arg5[%dma_wait3A_73, %dma_wait3A_74] : memref<10000x128xf32, #tpu.memory_space<vmem_shared>> -> memref<16x128xf32, #tpu.memory_space<vmem_shared>>
        %dma_wait3A_76 = arith.constant 9984 : i32
        %dma_wait3A_77 = arith.constant 0 : i32
        %dma_wait3A_78 = tpu.memref_slice %arg5[%dma_wait3A_76, %dma_wait3A_77] : memref<10000x128xf32, #tpu.memory_space<vmem_shared>> -> memref<16x128xf32, #tpu.memory_space<vmem_shared>>
        %dma_wait3A_79 = arith.constant 0 : i32
        %dma_wait3A_80 = arith.constant 0 : i32
        %dma_wait3A_81 = tpu.memref_slice %arg8[%dma_wait3A_79, %dma_wait3A_80] : memref<80x128xf32, #tpu.memory_space<vmem>> -> memref<16x128xf32, #tpu.memory_space<vmem>>
        tpu.wait_dma2 semaphore(%run_scoped3A : memref<!tpu.dma_semaphore, #tpu.memory_space<semaphore_mem>>) src(%dma_wait3A_81 : memref<16x128xf32, #tpu.memory_space<vmem>>) dst(%dma_wait3A_78 : memref<16x128xf32, #tpu.memory_space<vmem_shared>>)
        tpu.yield
      }) : () -> ()
    } else {
    }
    %barrier3A = arith.constant 0 : index
    tpu.barrier barrier_id(%barrier3A)
    %dma_start3A = arith.constant 0 : i32
    %dma_start3A_39 = tpu.memref_slice %arg6[%dma_start3A] : memref<20000xi32, #tpu.memory_space<vmem>> -> memref<80xi32, #tpu.memory_space<vmem>>
    %dma_start3A_40 = arith.constant 0 : i32
    %dma_start3A_41 = arith.constant 0 : i32
    %dma_start3A_42 = tpu.memref_slice %arg5[%dma_start3A_40, %dma_start3A_41] : memref<10000x128xf32, #tpu.memory_space<vmem_shared>> -> memref<10000x128xf32, #tpu.memory_space<vmem_shared>>
    tpu.enqueue_indirect_dma source(%dma_start3A_42 : memref<10000x128xf32, #tpu.memory_space<vmem_shared>>) target(%arg7 : memref<80x128xf32, #tpu.memory_space<vmem>>) offsets(%dma_start3A_39 : memref<80xi32, #tpu.memory_space<vmem>>) semaphore(%arg9 : memref<!tpu.dma_semaphore, #tpu.memory_space<semaphore_mem>>)
    %scan3A = arith.constant 0 : i32
    %scan3A_43 = arith.constant 125 : i32
    %scan3A_44 = arith.addi %scan3A, %scan3A_43 : i32
    %scan3A_45 = arith.constant 1 : i32
    scf.for %scan3A_58 = %scan3A to %scan3A_44 step %scan3A_45  : i32 {
      %mul3A_59 = arith.constant 2 : i32
      %mul3A_60 = arith.muli %scan3A_58, %mul3A_59 : i32
      %add3A_61 = arith.constant 0 : i32
      %add3A_62 = arith.addi %add3A_61, %mul3A_60 : i32
      %add3A_63 = arith.constant 0 : i32
      %add3A_64 = arith.addi %add3A_62, %add3A_63 : i32
      %mul3A_65 = arith.constant 80 : i32
      %mul3A_66 = arith.muli %add3A_64, %mul3A_65 : i32
      %dma_wait3A_67 = tpu.memref_slice %arg6[%mul3A_66] : memref<20000xi32, #tpu.memory_space<vmem>> -> memref<80xi32, #tpu.memory_space<vmem>>
      %dma_wait3A_68 = arith.constant 0 : i32
      %dma_wait3A_69 = arith.constant 0 : i32
      %dma_wait3A_70 = tpu.memref_slice %arg5[%dma_wait3A_68, %dma_wait3A_69] : memref<10000x128xf32, #tpu.memory_space<vmem_shared>> -> memref<10000x128xf32, #tpu.memory_space<vmem_shared>>
      tpu.wait_indirect_dma semaphore(%arg9 : memref<!tpu.dma_semaphore, #tpu.memory_space<semaphore_mem>>) src(%dma_wait3A_70 : memref<10000x128xf32, #tpu.memory_space<vmem_shared>>) dst(%arg7 : memref<80x128xf32, #tpu.memory_space<vmem>>)
      %mul3A_71 = arith.constant 80 : i32
      %mul3A_72 = arith.muli %add3A_64, %mul3A_71 : i32
      %add3A_73 = arith.addi %mul3A_2, %mul3A_72 : i32
      %dma_start3A_74 = arith.constant 0 : i32
      %dma_start3A_75 = tpu.memref_slice %arg4[%add3A_73, %dma_start3A_74] : memref<640000x128xf32, #tpu.memory_space<hbm>> -> memref<80x128xf32, #tpu.memory_space<hbm>>
      %dma_start3A_76 = arith.constant 0 : i32
      %dma_start3A_77 = tpu.memref_slice %arg4[%add3A_73, %dma_start3A_76] : memref<640000x128xf32, #tpu.memory_space<hbm>> -> memref<80x128xf32, #tpu.memory_space<hbm>>
      tpu.enqueue_dma source(%arg7 : memref<80x128xf32, #tpu.memory_space<vmem>>) target(%dma_start3A_77 : memref<80x128xf32, #tpu.memory_space<hbm>>) target_semaphore(%arg11 : memref<!tpu.dma_semaphore, #tpu.memory_space<semaphore_mem>>)
      %add3A_78 = arith.constant 1 : i32
      %add3A_79 = arith.addi %add3A_64, %add3A_78 : i32
      %lt3A = arith.constant 250 : i32
      %lt3A_80 = arith.cmpi slt, %add3A_79, %lt3A : i32
      %convert_element_type3A_81 = arith.extui %lt3A_80 : i1 to i32
      %cond3A_82 = arith.constant 0 : i32
      %cond3A_83 = arith.cmpi ne, %convert_element_type3A_81, %cond3A_82 : i32
      scf.if %cond3A_83 {
        %ge3A = arith.constant 1 : i32
        %ge3A_106 = arith.cmpi sge, %add3A_64, %ge3A : i32
        %convert_element_type3A_107 = arith.extui %ge3A_106 : i1 to i32
        %cond3A_108 = arith.constant 0 : i32
        %cond3A_109 = arith.cmpi ne, %convert_element_type3A_107, %cond3A_108 : i32
        scf.if %cond3A_109 {
          %sub3A = arith.constant 1 : i32
          %sub3A_118 = arith.subi %add3A_64, %sub3A : i32
          %mul3A_119 = arith.constant 80 : i32
          %mul3A_120 = arith.muli %sub3A_118, %mul3A_119 : i32
          %add3A_121 = arith.addi %mul3A_2, %mul3A_120 : i32
          %dma_wait3A_122 = arith.constant 0 : i32
          %dma_wait3A_123 = tpu.memref_slice %arg4[%add3A_121, %dma_wait3A_122] : memref<640000x128xf32, #tpu.memory_space<hbm>> -> memref<80x128xf32, #tpu.memory_space<hbm>>
          %dma_wait3A_124 = arith.constant 0 : i32
          %dma_wait3A_125 = tpu.memref_slice %arg4[%add3A_121, %dma_wait3A_124] : memref<640000x128xf32, #tpu.memory_space<hbm>> -> memref<80x128xf32, #tpu.memory_space<hbm>>
          tpu.wait_dma2 semaphore(%arg12 : memref<!tpu.dma_semaphore, #tpu.memory_space<semaphore_mem>>) src(%arg8 : memref<80x128xf32, #tpu.memory_space<vmem>>) dst(%dma_wait3A_125 : memref<80x128xf32, #tpu.memory_space<hbm>>)
        } else {
        }
        %add3A_110 = arith.constant 1 : i32
        %add3A_111 = arith.addi %add3A_64, %add3A_110 : i32
        %mul3A_112 = arith.constant 80 : i32
        %mul3A_113 = arith.muli %add3A_111, %mul3A_112 : i32
        %dma_start3A_114 = tpu.memref_slice %arg6[%mul3A_113] : memref<20000xi32, #tpu.memory_space<vmem>> -> memref<80xi32, #tpu.memory_space<vmem>>
        %dma_start3A_115 = arith.constant 0 : i32
        %dma_start3A_116 = arith.constant 0 : i32
        %dma_start3A_117 = tpu.memref_slice %arg5[%dma_start3A_115, %dma_start3A_116] : memref<10000x128xf32, #tpu.memory_space<vmem_shared>> -> memref<10000x128xf32, #tpu.memory_space<vmem_shared>>
        tpu.enqueue_indirect_dma source(%dma_start3A_117 : memref<10000x128xf32, #tpu.memory_space<vmem_shared>>) target(%arg8 : memref<80x128xf32, #tpu.memory_space<vmem>>) offsets(%dma_start3A_114 : memref<80xi32, #tpu.memory_space<vmem>>) semaphore(%arg10 : memref<!tpu.dma_semaphore, #tpu.memory_space<semaphore_mem>>)
      } else {
      }
      %add3A_84 = arith.constant 1 : i32
      %add3A_85 = arith.addi %add3A_62, %add3A_84 : i32
      %mul3A_86 = arith.constant 80 : i32
      %mul3A_87 = arith.muli %add3A_85, %mul3A_86 : i32
      %dma_wait3A_88 = tpu.memref_slice %arg6[%mul3A_87] : memref<20000xi32, #tpu.memory_space<vmem>> -> memref<80xi32, #tpu.memory_space<vmem>>
      %dma_wait3A_89 = arith.constant 0 : i32
      %dma_wait3A_90 = arith.constant 0 : i32
      %dma_wait3A_91 = tpu.memref_slice %arg5[%dma_wait3A_89, %dma_wait3A_90] : memref<10000x128xf32, #tpu.memory_space<vmem_shared>> -> memref<10000x128xf32, #tpu.memory_space<vmem_shared>>
      tpu.wait_indirect_dma semaphore(%arg10 : memref<!tpu.dma_semaphore, #tpu.memory_space<semaphore_mem>>) src(%dma_wait3A_91 : memref<10000x128xf32, #tpu.memory_space<vmem_shared>>) dst(%arg8 : memref<80x128xf32, #tpu.memory_space<vmem>>)
      %mul3A_92 = arith.constant 80 : i32
      %mul3A_93 = arith.muli %add3A_85, %mul3A_92 : i32
      %add3A_94 = arith.addi %mul3A_2, %mul3A_93 : i32
      %dma_start3A_95 = arith.constant 0 : i32
      %dma_start3A_96 = tpu.memref_slice %arg4[%add3A_94, %dma_start3A_95] : memref<640000x128xf32, #tpu.memory_space<hbm>> -> memref<80x128xf32, #tpu.memory_space<hbm>>
      %dma_start3A_97 = arith.constant 0 : i32
      %dma_start3A_98 = tpu.memref_slice %arg4[%add3A_94, %dma_start3A_97] : memref<640000x128xf32, #tpu.memory_space<hbm>> -> memref<80x128xf32, #tpu.memory_space<hbm>>
      tpu.enqueue_dma source(%arg8 : memref<80x128xf32, #tpu.memory_space<vmem>>) target(%dma_start3A_98 : memref<80x128xf32, #tpu.memory_space<hbm>>) target_semaphore(%arg12 : memref<!tpu.dma_semaphore, #tpu.memory_space<semaphore_mem>>)
      %add3A_99 = arith.constant 1 : i32
      %add3A_100 = arith.addi %add3A_85, %add3A_99 : i32
      %lt3A_101 = arith.constant 250 : i32
      %lt3A_102 = arith.cmpi slt, %add3A_100, %lt3A_101 : i32
      %convert_element_type3A_103 = arith.extui %lt3A_102 : i1 to i32
      %cond3A_104 = arith.constant 0 : i32
      %cond3A_105 = arith.cmpi ne, %convert_element_type3A_103, %cond3A_104 : i32
      scf.if %cond3A_105 {
        %ge3A = arith.constant 1 : i32
        %ge3A_106 = arith.cmpi sge, %add3A_85, %ge3A : i32
        %convert_element_type3A_107 = arith.extui %ge3A_106 : i1 to i32
        %cond3A_108 = arith.constant 0 : i32
        %cond3A_109 = arith.cmpi ne, %convert_element_type3A_107, %cond3A_108 : i32
        scf.if %cond3A_109 {
          %sub3A = arith.constant 1 : i32
          %sub3A_118 = arith.subi %add3A_85, %sub3A : i32
          %mul3A_119 = arith.constant 80 : i32
          %mul3A_120 = arith.muli %sub3A_118, %mul3A_119 : i32
          %add3A_121 = arith.addi %mul3A_2, %mul3A_120 : i32
          %dma_wait3A_122 = arith.constant 0 : i32
          %dma_wait3A_123 = tpu.memref_slice %arg4[%add3A_121, %dma_wait3A_122] : memref<640000x128xf32, #tpu.memory_space<hbm>> -> memref<80x128xf32, #tpu.memory_space<hbm>>
          %dma_wait3A_124 = arith.constant 0 : i32
          %dma_wait3A_125 = tpu.memref_slice %arg4[%add3A_121, %dma_wait3A_124] : memref<640000x128xf32, #tpu.memory_space<hbm>> -> memref<80x128xf32, #tpu.memory_space<hbm>>
          tpu.wait_dma2 semaphore(%arg11 : memref<!tpu.dma_semaphore, #tpu.memory_space<semaphore_mem>>) src(%arg7 : memref<80x128xf32, #tpu.memory_space<vmem>>) dst(%dma_wait3A_125 : memref<80x128xf32, #tpu.memory_space<hbm>>)
        } else {
        }
        %add3A_110 = arith.constant 1 : i32
        %add3A_111 = arith.addi %add3A_85, %add3A_110 : i32
        %mul3A_112 = arith.constant 80 : i32
        %mul3A_113 = arith.muli %add3A_111, %mul3A_112 : i32
        %dma_start3A_114 = tpu.memref_slice %arg6[%mul3A_113] : memref<20000xi32, #tpu.memory_space<vmem>> -> memref<80xi32, #tpu.memory_space<vmem>>
        %dma_start3A_115 = arith.constant 0 : i32
        %dma_start3A_116 = arith.constant 0 : i32
        %dma_start3A_117 = tpu.memref_slice %arg5[%dma_start3A_115, %dma_start3A_116] : memref<10000x128xf32, #tpu.memory_space<vmem_shared>> -> memref<10000x128xf32, #tpu.memory_space<vmem_shared>>
        tpu.enqueue_indirect_dma source(%dma_start3A_117 : memref<10000x128xf32, #tpu.memory_space<vmem_shared>>) target(%arg7 : memref<80x128xf32, #tpu.memory_space<vmem>>) offsets(%dma_start3A_114 : memref<80xi32, #tpu.memory_space<vmem>>) semaphore(%arg9 : memref<!tpu.dma_semaphore, #tpu.memory_space<semaphore_mem>>)
      } else {
      }
    }
    %scan3A_46 = arith.constant 125 : i32
    %add3A_47 = arith.constant 19840 : i32
    %add3A_48 = arith.addi %mul3A_2, %add3A_47 : i32
    %dma_wait3A = arith.constant 0 : i32
    %dma_wait3A_49 = tpu.memref_slice %arg4[%add3A_48, %dma_wait3A] : memref<640000x128xf32, #tpu.memory_space<hbm>> -> memref<80x128xf32, #tpu.memory_space<hbm>>
    %dma_wait3A_50 = arith.constant 0 : i32
    %dma_wait3A_51 = tpu.memref_slice %arg4[%add3A_48, %dma_wait3A_50] : memref<640000x128xf32, #tpu.memory_space<hbm>> -> memref<80x128xf32, #tpu.memory_space<hbm>>
    tpu.wait_dma2 semaphore(%arg11 : memref<!tpu.dma_semaphore, #tpu.memory_space<semaphore_mem>>) src(%arg7 : memref<80x128xf32, #tpu.memory_space<vmem>>) dst(%dma_wait3A_51 : memref<80x128xf32, #tpu.memory_space<hbm>>)
    %add3A_52 = arith.constant 19920 : i32
    %add3A_53 = arith.addi %mul3A_2, %add3A_52 : i32
    %dma_wait3A_54 = arith.constant 0 : i32
    %dma_wait3A_55 = tpu.memref_slice %arg4[%add3A_53, %dma_wait3A_54] : memref<640000x128xf32, #tpu.memory_space<hbm>> -> memref<80x128xf32, #tpu.memory_space<hbm>>
    %dma_wait3A_56 = arith.constant 0 : i32
    %dma_wait3A_57 = tpu.memref_slice %arg4[%add3A_53, %dma_wait3A_56] : memref<640000x128xf32, #tpu.memory_space<hbm>> -> memref<80x128xf32, #tpu.memory_space<hbm>>
    tpu.wait_dma2 semaphore(%arg12 : memref<!tpu.dma_semaphore, #tpu.memory_space<semaphore_mem>>) src(%arg8 : memref<80x128xf32, #tpu.memory_space<vmem>>) dst(%dma_wait3A_57 : memref<80x128xf32, #tpu.memory_space<hbm>>)
    return
  }
}

</mosaic_0001>

<sc_bundles>
// kernel: kernel.3.cloned.1.call-start
scs
__scs_entry_jumppad:
0x0: {  	(pc) =	sbr.rel $0x88, $3  }
0x1: {  	(tag) =	ssettag $0x0;
	lr =	simm.s32 $0x1  }
0x2: {  	[smem:$0x3F9F] =	sst lr;
	_ =	strace $0xD0000000  }
0x3: {  	_ = 	snop  }
0x4: {  	_ = 	snop  }
0x5: {  	_ = 	snop  }
0x6: {  	_ = 	snop  }
0x7: {  	_ = 	snop  }
__scs_overlays_trampoline_lowered:
0x8: {  	[smem:$0x3FAE] =	sst s0  }
0x9: {  	[smem:$0x3FAF] =	sst s1  }
0xa: {  	[smem:$0x3FB0] =	sst s2  }
0xb: {  	[smem:$0x3FB1] =	sst s3  }
0xc: {  	[smem:$0x3FB2] =	sst s4  }
0xd: {  	[smem:$0x3FB3] =	sst s5  }
0xe: {  	[smem:$0x3FB4] =	sst s6  }
0xf: {  	[smem:$0x3FB5] =	sst s7  }
0x10: {  	[smem:$0x3FB6] =	sst s8  }
0x11: {  	[smem:$0x3FB7] =	sst s9;
	s0 =	simm.s32 @!p0 $0x0  }
0x12: {  	s1 =	sld [smem:$0x3F9D];
	s0 =	simm.s32 @p0 $0x1  }
0x13: {  	[smem:$0x3FB8] =	sst s0;
	s0 =	simm.s32 @!p1 $0x0  }
0x14: {  	s2 =	sld [smem:$0x3F9C];
	s0 =	simm.s32 @p1 $0x1  }
0x15: {  	[smem:$0x3FB9] =	sst s0;
	s0 =	simm.s32 @!p2 $0x0  }
0x16: {  	s3 =	sld [smem:$0x3FDB];
	s0 =	simm.s32 @p2 $0x1  }
0x17: {  	s4 =	simm.s32 $0x1BF5;
	[smem:$0x3FBB] =	sst s0  }
0x18: {  	s0 =	sld [smem:$0x3F9E];
	_ =	swait.ge [sflag:s4], $0x0  }
0x19: {  	s7 =	sld [smem:$0x3F9F]  }
0x1a: {  	s8 =	sadd.s32 $0xFFFFE003, lr  }
0x1b: {  	s9 =	sadd.s32 $0xFFFFFEF7, lr;
	s5 =	simm.s32 $0xFFFFFFFF;
	p2 =	slt.u32 s8, $0xFFFFF086  }
0x1c: {  	p1 =	slt.u32 s9, $0xF7A;
	s5 =	simm.s32 @!p2 $0x0  }
0x1d: {  	s5 =	simm.s32 @p1 $0x1;
	p0 =	seq.s32 s7, s2  }
0x1e: {  	s7 =	smul.u32 @!p0 $0xF7A, s2;
	p2 =	seq.s32 @!p0 s5, $0x0  }
0x1f: {  	s9 =	smul.u32 $0xF7A, s1;
	s8 =	simm.s32 @!p0 $0x1BF5;
	p2 =	por !p2, p0  }
0x20: {  	[sflag:s8] =	ssyncset.s32 @!p0 $0xFFFFF086;
	s6 =	sadd.s32 @!p0 s3, s7;
	s7 =	simm.s32 @!p0 $0x108  }
0x21: {  	s3 =	sadd.s32 s3, s9;
	s6 =	sadd.s32 @!p0 $0x88, s6;
	s7 =	simm.s32 @p2 $0x1082  }
0x22: {  	[simem:s7], [sflag:s8] =	dma.local @!p0 [hbm:s6], $0xF7A  }
0x23: {  	s9 =	sor.u32 $0xD0000000, s2;
	s6 =	simm.s32 $0x108;
	_ =	swait.ge @!p0 [sflag:s8], $0x0  }
0x24: {  	s3 =	sadd.s32 $0x88, s3;
	s6 =	simm.s32 @!p1 $0x1082;
	[sflag:s4] =	ssyncset.s32 $0xFFFFF086  }
0x25: {  	[simem:s6], [sflag:s4] =	dma.local [hbm:s3], $0xF7A  }
0x26: {  	[smem:$0x3F9F] =	sst s1;
	(tag) =	ssettag s2;
	_ =	strace s9  }
0x27: {  	s1 =	sld [smem:$0x3FAF]  }
0x28: {  	s2 =	sld [smem:$0x3FB0]  }
0x29: {  	s4 =	sld [smem:$0x3FB2]  }
0x2a: {  	p0 =	seq.s32 s5, $0x0;
	s5 =	sld [smem:$0x3FB3]  }
0x2b: {  	s6 =	sld [smem:$0x3FB4]  }
0x2c: {  	s7 =	sld [smem:$0x3FB5]  }
0x2d: {  	s3 =	simm.s32 $0x108;
	s8 =	sld [smem:$0x3FB6]  }
0x2e: {  	s3 =	simm.s32 @!p0 $0x1082;
	s9 =	sld [smem:$0x3FB7]  }
0x2f: {  	lr =	sadd.s32 s0, s3;
	s0 =	sld [smem:$0x3FAE]  }
0x30: {  	s3 =	sld [smem:$0x3FB1]  }
0x31: {  	[smem:$0x3FBA] =	sst s10  }
0x32: {  	s10 =	sld [smem:$0x3FB8];
	_ =	sdelay $0x3  }
0x33: {  	p0 =	seq.s32 s10, $0x1;
	s10 =	sld [smem:$0x3FBA];
	_ =	sdelay $0x3  }
0x34: {  	[smem:$0x3FBA] =	sst s10  }
0x35: {  	s10 =	sld [smem:$0x3FB9];
	_ =	sdelay $0x3  }
0x36: {  	p1 =	seq.s32 s10, $0x1;
	s10 =	sld [smem:$0x3FBA];
	_ =	sdelay $0x3  }
0x37: {  	[smem:$0x3FBA] =	sst s10  }
0x38: {  	s10 =	sld [smem:$0x3FBB]  }
0x39: {  	_ = 	snop;
	(pc) =	sbr.ind lr, $3  }
0x3a: {  	_ = 	snop  }
0x3b: {  	_ = 	snop  }
0x3c: {  	p2 =	seq.s32 s10, $0x1;
	s10 =	sld [smem:$0x3FBA]  }
0x3d: {  	_ =	shalt  }
0x3e: {  	_ =	shalt  }
0x3f: {  	_ =	shalt  }
0x40: {  	_ =	shalt  }
0x41: {  	_ =	shalt  }
0x42: {  	_ =	shalt  }
0x43: {  	_ =	shalt  }
0x44: {  	_ =	shalt  }
0x45: {  	_ =	shalt  }
0x46: {  	_ =	shalt  }
0x47: {  	_ =	shalt  }
0x48: {  	_ =	shalt  }
0x49: {  	_ =	shalt  }
0x4a: {  	_ =	shalt  }
0x4b: {  	_ =	shalt  }
0x4c: {  	_ =	shalt  }
0x4d: {  	_ =	shalt  }
0x4e: {  	_ =	shalt  }
0x4f: {  	_ =	shalt  }
0x50: {  	_ =	shalt  }
0x51: {  	_ =	shalt  }
0x52: {  	_ =	shalt  }
0x53: {  	_ =	shalt  }
0x54: {  	_ =	shalt  }
0x55: {  	_ =	shalt  }
0x56: {  	_ =	shalt  }
0x57: {  	_ =	shalt  }
0x58: {  	_ =	shalt  }
0x59: {  	_ =	shalt  }
0x5a: {  	_ =	shalt  }
0x5b: {  	_ =	shalt  }
0x5c: {  	_ =	shalt  }
0x5d: {  	_ =	shalt  }
0x5e: {  	_ =	shalt  }
0x5f: {  	_ =	shalt  }
0x60: {  	_ =	shalt  }
0x61: {  	_ =	shalt  }
0x62: {  	_ =	shalt  }
0x63: {  	_ =	shalt  }
0x64: {  	_ =	shalt  }
0x65: {  	_ =	shalt  }
0x66: {  	_ =	shalt  }
0x67: {  	_ =	shalt  }
0x68: {  	_ =	shalt  }
0x69: {  	_ =	shalt  }
0x6a: {  	_ =	shalt  }
0x6b: {  	_ =	shalt  }
0x6c: {  	_ =	shalt  }
0x6d: {  	_ =	shalt  }
0x6e: {  	_ =	shalt  }
0x6f: {  	_ =	shalt  }
0x70: {  	_ =	shalt  }
0x71: {  	_ =	shalt  }
0x72: {  	_ =	shalt  }
0x73: {  	_ =	shalt  }
0x74: {  	_ =	shalt  }
0x75: {  	_ =	shalt  }
0x76: {  	_ =	shalt  }
0x77: {  	_ =	shalt  }
0x78: {  	_ =	shalt  }
0x79: {  	_ =	shalt  }
0x7a: {  	_ =	shalt  }
0x7b: {  	_ =	shalt  }
0x7c: {  	_ =	shalt  }
0x7d: {  	_ =	shalt  }
0x7e: {  	_ =	shalt  }
0x7f: {  	_ =	shalt  }
0x80: {  	_ =	shalt  }
0x81: {  	_ =	shalt  }
0x82: {  	_ =	shalt  }
0x83: {  	_ =	shalt  }
0x84: {  	_ =	shalt  }
0x85: {  	_ =	shalt  }
0x86: {  	_ =	shalt  }
0x87: {  	_ =	shalt  }
.Lfunc_end0:
.L_simem_size_0:
called_computation_lowered:
.L_overlay_start_0:
0x88: {  	s2 =	sld [smem:$0x3FD9]  }
0x89: {  	s3 =	sld [smem:$0x3FFE];
	_ =	sdelay $0x1  }
0x8a: {  	s1 =	srdreg.scid  }
0x8b: {  	s0 =	sand.u32 $0x1, s1  }
0x8c: {  	s17 =	sshll.u32 s0, $0xA;
	s2 =	sadd.s32 s3, s2  }
0x8d: {  	s2 =	sadd.s32 s2, s17  }
0x8e: {  	[smem:$0x3FC6] =	sst s2  }
0x8f: {  	_ = 	snop  }
0x90: {  	s2 =	sld [smem:$0x3FC9]  }
0x91: {  	s18 =	sld [smem:$0x3FD0];
	(tm) =	ssettm $0x1  }
0x92: {  	s4 =	sld [smem:$0x3FFB];
	_ =	sdelay $0x3  }
0x93: {  	_ =	strace s4  }
0x94: {  	s4 =	sld [smem:$0x3FFC];
	_ =	sdelay $0x3  }
0x95: {  	_ =	strace s4  }
0x96: {  	s4 =	sld [smem:$0x3FFD];
	_ =	sdelay $0x3  }
0x97: {  	_ =	strace s4  }
0x98: {  	_ =	strace $0x8FFFFFFF  }
0x99: {  	s19 =	sld [smem:$0x3FDB];
	_ =	sdelay $0x1  }
0x9a: {  	s5 =	simm.s32 $_scs_section_size  }
0x9b: {  	s6 =	simm.s32 $_size__tile_overlayer_lowered;
	s7 =	simm.s32 $_tile_overlayer_lowered  }
0x9c: {  	s22 =	simm.s32 $0x1BFF;
	s21 =	sshll.u32 s7, $0x1;
	s4 =	sadd.s32 s5, s19  }
0x9d: {  	s8 =	simm.s32 $0x0;
	s20 =	sshll.u32 s6, $0x1;
	s6 =	sadd.s32 s21, s4  }
0x9e: {  	[timem:s8], [sflag:s22] =	dma.local [hbm:s6], s20  }
0x9f: {  	_ =	swait.ge [sflag:s22], s20  }
0xa0: {  	s5 =	ssub.s32 $0x0, s20;
	[sflag:s22] =	ssyncset.done $0x0  }
0xa1: {  	[sflag:s22] =	ssyncadd.s32 s5;
	_ =	sdelay $0x1  }
0xa2: {  	s23 =	simm.s32 $0x1B8B  }
0xa3: {  	_ =	swait.ge [sflag:s23], $0x1  }
0xa4: {  	[sflag:s23] =	ssyncset.done $0x0  }
0xa5: {  	s25 =	simm.s32 $0x1B8E;
	s24 =	sld [smem:$0x3FFE];
	[sflag:s23] =	ssyncadd.s32 $0xFFFFFFFF  }
0xa6: {  	s26 =	simm.s32 $execute0_lowered;
	[smem:$0x3FD2] =	sst s25  }
0xa7: {  	s6 =	sshll.u32 s26, $0x1;
	_ =	strace $0x80000046;
	[dreg:$0x1] =	wrdreg $0xFFFFFFFF  }
0xa8: {  	s28 =	simm.s32 $_size_execute0_lowered;
	s4 =	sadd.s32 s4, s6;
	[dreg:$0x0] =	wrdreg $0x0  }
0xa9: {  	s6 =	sshll.u32 s28, $0x1;
	[dreg:$0x2] =	wrdreg s4  }
0xaa: {  	[dreg:$0x3] =	wrdreg s6  }
0xab: {  	[dreg:$0x4] =	wrdreg $0xC0  }
0xac: {  	_ =	task [dreg:s8], $0x5FFFF  }
0xad: {  	[dreg:$0x1] =	wrdreg $0xFFFFFFFF  }
0xae: {  	[dreg:$0x0] =	wrdreg $0x60  }
0xaf: {  	[dreg:$0x2] =	wrdreg s2  }
0xb0: {  	[dreg:$0x3] =	wrdreg s24  }
0xb1: {  	[dreg:$0x4] =	wrdreg s18  }
0xb2: {  	[dreg:$0x5] =	wrdreg $0x0  }
0xb3: {  	[dreg:$0x6] =	wrdreg $0x9  }
0xb4: {  	_ =	task.clear_ibuf [dreg:s8], $0x7FFFF;
	_ =	strace $0x90000046  }
0xb5: {  	s29 =	simm.s32 $0x9;
	_ =	strace $0x80000048  }
0xb6: {  	_ =	swait.ge [sflag:s29], $0x1  }
0xb7: {  	[sflag:s29] =	ssyncadd.s32 $0xFFFFFFFF  }
0xb8: {  	_ =	strace $0x90000048  }
0xb9: {  	_ =	sfence  }
0xba: {  	s30 =	sld [smem:$0x0];
	_ =	sdelay $0x2  }
0xbb: {  	s31 =	sshll.u32 s1, $0xD;
	s1 =	sshrl.u32 s1, $0x2  }
0xbc: {  	s3 =	sand.u32 $0x4000, s31;
	s1 =	sadd.s32 s1, s30  }
0xbd: {  	s0 =	sor.u32 s3, s0;
	s1 =	sshll.u32 s1, $0x11  }
0xbe: {  	s0 =	sor.u32 s1, s0  }
0xbf: {  	s0 =	sadd.s32 $0x8F2B, s0  }
0xc0: {  	[sflag:s0] =	ssyncadd.remote.s32 $0x1  }
0xc1: {  	_ =	sfence.sel $0xFFFF  }
0xc2: {  	[dreg:$0x0] =	wrdreg $0xFFFFFFFF;
	(pc) =	sbr.abs _section_cstart, $3  }
0xc3: {  	[dreg:$0x1] =	wrdreg $0xFFFFFFFF  }
0xc4: {  	_ =	task.clear_ibuf [dreg:s8], $0x2FFFF;
	_ =	strace $0x9FFFFFFF  }
0xc5: {  	(tm) =	ssettm $0x7FFFFFFF  }
tec
execute0_lowered:
.L_overlay_start_1:
0x0: {  	(tag) =	ssettag $0x1  }
0x1: {  	s3 =	rddreg [dreg:$0x0]  }
0x2: {  	s4 =	rddreg [dreg:$0x1]  }
0x3: {  	s5 =	rddreg [dreg:$0x2];
	s2 =	srdreg.scid  }
0x4: {  	s0 =	stileid.u32;
	s1 =	rddreg [dreg:$0x3];
	s28 =	simm.s32 $0x5  }
0x5: {  	s29 =	simm.s32 $0x18700;
	s30 =	simm.s32 $0x50;
	s18 =	smul.u32 $0x270, s0  }
0x6: {  	s31 =	simm.s32 $0x1;
	s6 =	sand.u32 $0x1, s2;
	s11 =	smul.u32 $0x4E000, s0  }
0x7: {  	s7 =	sshll.u32 s0, $0x1;
	s2 =	simm.s32 $0x0;
	s24 =	smul.u32 $0x2700, s0  }
0x8: {  	s7 =	sor.u32 s6, s7;
	s9 =	ssub.s32 $0x2, s6;
	s6 =	smul.u32 $0x4E200, s6  }
0x9: {  	p0 =	sne.s32 s0, $0x0;
	[smem:$0x7FF] =	sst s2;
	s8 =	smul.u32 $0x4E20, s7  }
0xa: {  	_ =	strace $0x80000047;
	s10 =	sshrl.u32 s9, $0x1;
	s25 =	sshrl.u32 s11, $0x2  }
0xb: {  	s26 =	sadd.s32 $0x50, s18;
	s12 =	sadd.s32 $0xA0, s18;
	s14 =	sadd.s32 $0xF0, s18  }
0xc: {  	s20 =	sadd.s32 $0x140, s18;
	s21 =	sadd.s32 $0x190, s18;
	s23 =	sadd.s32 $0x1E0, s18  }
0xd: {  	s7 =	smul.u32 $0x4E200, s7;
	s11 =	sshll.u32 s26, $0x7;
	s13 =	sshll.u32 s12, $0x4  }
0xe: {  	s15 =	sshll.u32 s12, $0x7;
	s16 =	sshll.u32 s14, $0x4;
	s19 =	sshll.u32 s14, $0x7  }
0xf: {  	s12 =	sshll.u32 s20, $0x4;
	s14 =	sshll.u32 s21, $0x4;
	s22 =	sshll.u32 s21, $0x7  }
0x10: {  	s21 =	sadd.s32 $0x27000, s3;
	s8 =	sshrl.u32 s8, $0x3;
	s17 =	sadd.s32 s3, s16  }
0x11: {  	s12 =	sadd.s32 s3, s12;
	s14 =	sadd.s32 s3, s14;
	s16 =	sshll.u32 s23, $0x4  }
0x12: {  	s4 =	sadd.s32 s8, s4;
	s8 =	ssub.s32 s9, s10;
	s9 =	sadd.s32 s3, s24  }
0x13: {  	[dreg:$0xc] =	wrdreg s17;
	s16 =	sadd.s32 s3, s16;
	s24 =	sadd.s32 $0x230, s18  }
0x14: {  	s18 =	sadd.s32 s5, s7;
	s4 =	sadd.s32 $0x400, s4;
	[dreg:$0x6] =	wrdreg s9  }
0x15: {  	s9 =	sshll.u32 s26, $0x4;
	[dreg:$0x5] =	wrdreg s4;
	s4 =	sadd.s32 s25, s1  }
0x16: {  	s25 =	sshll.u32 s24, $0x4;
	[dreg:$0x7] =	wrdreg s4;
	s4 =	sadd.s32 s3, s9  }
0x17: {  	s9 =	sshll.u32 s23, $0x7;
	s23 =	smax.u32 s8, $0x1;
	[dreg:$0x8] =	wrdreg s4  }
0x18: {  	s4 =	sadd.s32 s11, s1;
	s11 =	sadd.s32 s19, s1;
	s19 =	smul.u32 $0x9C400, s0  }
0x19: {  	s17 =	sadd.s32 s9, s1;
	[dreg:$0x9] =	wrdreg s4;
	s4 =	sadd.s32 s3, s13  }
0x1a: {  	s0 =	simm.s32 $0x1AF00;
	[dreg:$0xa] =	wrdreg s4;
	s4 =	sadd.s32 s15, s1  }
0x1b: {  	s15 =	sadd.s32 s22, s1;
	s5 =	sadd.s32 s19, s5;
	s19 =	sadd.s32 s3, s25  }
.Ltmp0:
0x1c: {  	s22 =	sadd.s32 $0x138000, s1;
	s3 =	simm.s32 $0x2;
	(pc) =	sbr.rel .LBB2_1-.Ltmp0, $4  }
0x1d: {  	[dreg:$0xb] =	wrdreg s4;
	s4 =	sshll.u32 s20, $0x7;
	s26 =	sadd.s32 s6, s5  }
0x1e: {  	s5 =	simm.s32 $0x4;
	s6 =	simm.s32 $0x0;
	s13 =	sadd.s32 s4, s1  }
0x1f: {  	s4 =	sshll.u32 s24, $0x7;
	s24 =	sadd.s32 $0x500, s18;
	s7 =	sadd.s32 $0xA00, s26  }
0x20: {  	s26 =	simm.s32 $0x13880;
	s20 =	sadd.s32 s4, s1;
	s4 =	simm.s32 $0x3  }
.LBB2_4:
0x21: {  	s6 =	sadd.s32 $0x1, s6  }
0x22: {  	p1 =	sne.s32 s6, s23  }
.Ltmp1:
0x23: {  	_ = 	snop;
	(pc) =	sbr.rel @!p1 .LBB2_5-.Ltmp1, $4  }
0x24: {  	_ = 	snop  }
0x25: {  	_ =	swait.ge [sflag:s5], $0x2800  }
0x26: {  	[sflag:s5] =	ssyncset.done $0x0  }
0x27: {  	[sflag:s5] =	ssyncadd.s32 $0xFFFFD800  }
.LBB2_1:
0x28: {  	s8 =	rddreg [dreg:$0x5]  }
0x29: {  	[tilespmem:s26], [sflag:$0x5] =	stream.linear.gather [hbm4b:s8+s2], $0x4E20, $0x38;
	[tilespmem:$0x1D700] =	vst v63  }
0x2a: {  	_ =	swait.ge [sflag:s28], $0x4E20  }
0x2b: {  	[sflag:s28] =	ssyncset.done $0x0  }
0x2c: {  	s9 =	rddreg [dreg:$0x6];
	[sflag:s28] =	ssyncadd.s32 $0xFFFFB1E0  }
0x2d: {  	[tilespmem:s29], [sflag:$0x5] =	stream.linear.gather [hbm4b:s9+s2], $0x2800, $0x38;
	[tilespmem:$0x1D700] =	vst v63  }
0x2e: {  	_ =	swait.ge [sflag:s28], $0x2800  }
0x2f: {  	[sflag:s28] =	ssyncset.done $0x0  }
0x30: {  	s10 =	rddreg [dreg:$0x7];
	[sflag:s28] =	ssyncadd.s32 $0xFFFFD800  }
0x31: {  	[spmem:s10] =	stream.linear.scatter [tilespmem:s29], [sflag:$0x5], $0x2800, $0x38;
	[tilespmem:$0x1D700] =	vst v63  }
0x32: {  	_ =	swait.ge [sflag:s28], $0x2800  }
0x33: {  	[sflag:s28] =	ssyncset.done $0x0  }
0x34: {  	s25 =	rddreg [dreg:$0x8];
	[sflag:s28] =	ssyncadd.s32 $0xFFFFD800  }
0x35: {  	[tilespmem:s29], [sflag:$0x5] =	stream.linear.gather [hbm4b:s25+s2], $0x2800, $0x38;
	[tilespmem:$0x1D700] =	vst v63  }
0x36: {  	_ =	swait.ge [sflag:s28], $0x2800  }
0x37: {  	[sflag:s28] =	ssyncset.done $0x0  }
0x38: {  	s9 =	rddreg [dreg:$0x9];
	[sflag:s28] =	ssyncadd.s32 $0xFFFFD800  }
0x39: {  	[spmem:s9] =	stream.linear.scatter [tilespmem:s29], [sflag:$0x5], $0x2800, $0x38;
	[tilespmem:$0x1D700] =	vst v63  }
0x3a: {  	_ =	swait.ge [sflag:s28], $0x2800  }
0x3b: {  	[sflag:s28] =	ssyncset.done $0x0  }
0x3c: {  	s10 =	rddreg [dreg:$0xa];
	[sflag:s28] =	ssyncadd.s32 $0xFFFFD800  }
0x3d: {  	[tilespmem:s29], [sflag:$0x5] =	stream.linear.gather [hbm4b:s10+s2], $0x2800, $0x38;
	[tilespmem:$0x1D700] =	vst v63  }
0x3e: {  	_ =	swait.ge [sflag:s28], $0x2800  }
0x3f: {  	[sflag:s28] =	ssyncset.done $0x0  }
0x40: {  	s25 =	rddreg [dreg:$0xb];
	[sflag:s28] =	ssyncadd.s32 $0xFFFFD800  }
0x41: {  	[spmem:s25] =	stream.linear.scatter [tilespmem:s29], [sflag:$0x5], $0x2800, $0x38;
	[tilespmem:$0x1D700] =	vst v63  }
0x42: {  	_ =	swait.ge [sflag:s28], $0x2800  }
0x43: {  	[sflag:s28] =	ssyncset.done $0x0  }
0x44: {  	s9 =	rddreg [dreg:$0xc];
	[sflag:s28] =	ssyncadd.s32 $0xFFFFD800  }
0x45: {  	[tilespmem:s29], [sflag:$0x5] =	stream.linear.gather [hbm4b:s9+s2], $0x2800, $0x38;
	[tilespmem:$0x1D700] =	vst v63  }
0x46: {  	_ =	swait.ge [sflag:s28], $0x2800  }
0x47: {  	[sflag:s28] =	ssyncset.done $0x0  }
0x48: {  	[sflag:s28] =	ssyncadd.s32 $0xFFFFD800  }
0x49: {  	[spmem:s11] =	stream.linear.scatter [tilespmem:s29], [sflag:$0x5], $0x2800, $0x38;
	[tilespmem:$0x1D700] =	vst v63  }
0x4a: {  	_ =	swait.ge [sflag:s28], $0x2800  }
0x4b: {  	[sflag:s28] =	ssyncset.done $0x0  }
0x4c: {  	[sflag:s28] =	ssyncadd.s32 $0xFFFFD800  }
0x4d: {  	[tilespmem:s29], [sflag:$0x5] =	stream.linear.gather [hbm4b:s12+s2], $0x2800, $0x38;
	[tilespmem:$0x1D700] =	vst v63  }
0x4e: {  	_ =	swait.ge [sflag:s28], $0x2800  }
0x4f: {  	[sflag:s28] =	ssyncset.done $0x0  }
0x50: {  	[sflag:s28] =	ssyncadd.s32 $0xFFFFD800  }
0x51: {  	[spmem:s13] =	stream.linear.scatter [tilespmem:s29], [sflag:$0x5], $0x2800, $0x38;
	[tilespmem:$0x1D700] =	vst v63  }
0x52: {  	_ =	swait.ge [sflag:s28], $0x2800  }
0x53: {  	[sflag:s28] =	ssyncset.done $0x0  }
0x54: {  	[sflag:s28] =	ssyncadd.s32 $0xFFFFD800  }
0x55: {  	[tilespmem:s29], [sflag:$0x5] =	stream.linear.gather [hbm4b:s14+s2], $0x2800, $0x38;
	[tilespmem:$0x1D700] =	vst v63  }
0x56: {  	_ =	swait.ge [sflag:s28], $0x2800  }
0x57: {  	[sflag:s28] =	ssyncset.done $0x0  }
0x58: {  	[sflag:s28] =	ssyncadd.s32 $0xFFFFD800  }
0x59: {  	[spmem:s15] =	stream.linear.scatter [tilespmem:s29], [sflag:$0x5], $0x2800, $0x38;
	[tilespmem:$0x1D700] =	vst v63  }
0x5a: {  	_ =	swait.ge [sflag:s28], $0x2800  }
0x5b: {  	[sflag:s28] =	ssyncset.done $0x0  }
0x5c: {  	[sflag:s28] =	ssyncadd.s32 $0xFFFFD800  }
0x5d: {  	[tilespmem:s29], [sflag:$0x5] =	stream.linear.gather [hbm4b:s16+s2], $0x2800, $0x38;
	[tilespmem:$0x1D700] =	vst v63  }
0x5e: {  	_ =	swait.ge [sflag:s28], $0x2800  }
0x5f: {  	[sflag:s28] =	ssyncset.done $0x0  }
0x60: {  	[sflag:s28] =	ssyncadd.s32 $0xFFFFD800  }
0x61: {  	[spmem:s17] =	stream.linear.scatter [tilespmem:s29], [sflag:$0x5], $0x2800, $0x38;
	[tilespmem:$0x1D700] =	vst v63  }
0x62: {  	_ =	swait.ge [sflag:s28], $0x2800  }
0x63: {  	[sflag:s28] =	ssyncset.done $0x0  }
0x64: {  	[sflag:s28] =	ssyncadd.s32 $0xFFFFD800  }
0x65: {  	[tilespmem:s29], [sflag:$0x5] =	stream.linear.gather [hbm4b:s19+s2], $0x2000, $0x38;
	[tilespmem:$0x1D700] =	vst v63  }
0x66: {  	_ =	swait.ge [sflag:s28], $0x2000  }
0x67: {  	[sflag:s28] =	ssyncset.done $0x0  }
0x68: {  	[sflag:s28] =	ssyncadd.s32 $0xFFFFE000  }
0x69: {  	[spmem:s20] =	stream.linear.scatter [tilespmem:s29], [sflag:$0x5], $0x2000, $0x38;
	[tilespmem:$0x1D700] =	vst v63  }
0x6a: {  	_ =	swait.ge [sflag:s28], $0x2000  }
0x6b: {  	[sflag:s28] =	ssyncset.done $0x0  }
0x6c: {  	s8 =	simm.s32 @!p0 $0x0;
	s9 =	simm.s32 @!p0 $0x1AF00;
	[sflag:s28] =	ssyncadd.s32 $0xFFFFE000  }
0x6d: {  	[tilespmem:s9], [sflag:$0x5] =	stream.linear.gather @!p0 [hbm4b:s21+s8], $0x800, $0x38;
	[tilespmem:$0x1D700] =	vst v63  }
0x6e: {  	s8 =	simm.s32 @!p0 $0x5  }
0x6f: {  	_ =	swait.ge @!p0 [sflag:s8], $0x800  }
0x70: {  	[sflag:s8] =	ssyncset.done @!p0 $0x0  }
0x71: {  	[sflag:s8] =	ssyncadd.s32 @!p0 $0xFFFFF800  }
0x72: {  	[spmem:s22] =	stream.linear.scatter @!p0 [tilespmem:s9], [sflag:$0x5], $0x800, $0x38;
	[tilespmem:$0x1D700] =	vst v63  }
0x73: {  	_ =	swait.ge @!p0 [sflag:s8], $0x800  }
0x74: {  	[sflag:s8] =	ssyncset.done @!p0 $0x0  }
0x75: {  	[sflag:s8] =	ssyncadd.s32 @!p0 $0xFFFFF800  }
0x76: {  	[bflag:$0x0] =	sbarrier.arrive $0xFFFF  }
0x77: {  	[tilespmem:s29], [sflag:$0x1] =	stream.indirect.gather [spmem:s1], $0x80, s26, s30, $0xb8;
	[tilespmem:$0x1D700] =	vst v63  }
0x78: {  	_ =	swait.ge [sflag:s31], $0x2800  }
0x79: {  	[sflag:s31] =	ssyncset.done $0x0  }
0x7a: {  	[sflag:s31] =	ssyncadd.s32 $0xFFFFD800  }
0x7b: {  	[hbm4b:s18+s2] =	stream.linear.scatter [tilespmem:s29], [sflag:$0x3], $0x2800, $0x38;
	[tilespmem:$0x1D700] =	vst v63  }
0x7c: {  	s10 =	simm.s32 $0x138D0  }
0x7d: {  	[tilespmem:s0], [sflag:$0x2] =	stream.indirect.gather [spmem:s1], $0x80, s10, s30, $0xb8;
	[tilespmem:$0x1D700] =	vst v63  }
0x7e: {  	_ =	swait.ge [sflag:s3], $0x2800  }
0x7f: {  	[sflag:s3] =	ssyncset.done $0x0  }
0x80: {  	[sflag:s3] =	ssyncadd.s32 $0xFFFFD800  }
0x81: {  	[hbm4b:s24+s2] =	stream.linear.scatter [tilespmem:s0], [sflag:$0x4], $0x2800, $0x38;
	[tilespmem:$0x1D700] =	vst v63  }
0x82: {  	_ =	swait.ge [sflag:s4], $0x2800  }
0x83: {  	[sflag:s4] =	ssyncset.done $0x0  }
0x84: {  	s25 =	simm.s32 $0x13920;
	[sflag:s4] =	ssyncadd.s32 $0xFFFFD800  }
0x85: {  	[tilespmem:s29], [sflag:$0x1] =	stream.indirect.gather [spmem:s1], $0x80, s25, s30, $0xb8;
	[tilespmem:$0x1D700] =	vst v63  }
0x86: {  	s8 =	simm.s32 $0x0;
	s25 =	smov.u32 s7  }
.LBB2_2:
0x87: {  	_ =	swait.ge [sflag:s31], $0x2800  }
0x88: {  	[sflag:s31] =	ssyncset.done $0x0  }
0x89: {  	[sflag:s31] =	ssyncadd.s32 $0xFFFFD800  }
0x8a: {  	[hbm4b:s25+s2] =	stream.linear.scatter [tilespmem:s29], [sflag:$0x3], $0x2800, $0x38;
	[tilespmem:$0x1D700] =	vst v63  }
0x8b: {  	_ =	swait.ge [sflag:s5], $0x2800  }
0x8c: {  	s9 =	sshra.s32 s8, $0x2;
	[sflag:s5] =	ssyncset.done $0x0  }
0x8d: {  	s10 =	sadd.s32 $0x13970, s9;
	[sflag:s5] =	ssyncadd.s32 $0xFFFFD800  }
0x8e: {  	[tilespmem:s0], [sflag:$0x2] =	stream.indirect.gather [spmem:s1], $0x80, s10, s30, $0xb8;
	[tilespmem:$0x1D700] =	vst v63  }
0x8f: {  	_ =	swait.ge [sflag:s3], $0x2800  }
0x90: {  	p1 =	seq.s32 s8, $0x13380;
	[sflag:s3] =	ssyncset.done $0x0  }
.Ltmp2:
0x91: {  	s10 =	sadd.s32 $0x500, s25;
	[sflag:s3] =	ssyncadd.s32 $0xFFFFD800;
	(pc) =	sbr.rel @p1 .LBB2_4-.Ltmp2, $4  }
0x92: {  	[hbm4b:s10+s2] =	stream.linear.scatter [tilespmem:s0], [sflag:$0x4], $0x2800, $0x38;
	[tilespmem:$0x1D700] =	vst v63  }
0x93: {  	_ =	swait.ge [sflag:s4], $0x2800  }
0x94: {  	[sflag:s4] =	ssyncset.done $0x0  }
0x95: {  	[sflag:s4] =	ssyncadd.s32 $0xFFFFD800  }
.Ltmp3:
0x96: {  	(pc) =	sbr.rel .LBB2_2-.Ltmp3, $3  }
0x97: {  	_ =	sdelay $0x1  }
0x98: {  	s9 =	sadd.s32 $0x139C0, s9;
	s8 =	sadd.s32 $0x280, s8;
	s25 =	sadd.s32 $0xA00, s25  }
0x99: {  	[tilespmem:s29], [sflag:$0x1] =	stream.indirect.gather [spmem:s1], $0x80, s9, s30, $0xb8;
	[tilespmem:$0x1D700] =	vst v63  }
.LBB2_5:
0x9a: {  	_ =	sfence.sel $0x180000  }
0x9b: {  	[bflag:$0x0] =	sbarrier.arrive $0xFFFF  }
0x9c: {  	_ =	strace $0x90000047  }
0x9d: {  	[bflag:$0x2] =	sbarrier.arrive $0xFFFF  }
0x9e: {  	s0 =	rddreg [dreg:$0x4]  }
0x9f: {  	s0 =	sadd.s32 @!p0 $0x100000, s0  }
0xa0: {  	[sflag:s0] =	ssyncadd.tile.s32 @!p0 $0x1;
	_ =	shalt  }
.Lfunc_end2:
_tile_overlayer_lowered:
.L_overlay_start_2:
0xa1: {  	(tag) =	ssettag $0x2  }
0xa2: {  	s0 =	rddreg [dreg:$0x0];
	s2 =	stileid.u32  }
0xa3: {  	s1 =	rddreg [dreg:$0x1];
	p0 =	sne.s32 s2, $0x0  }
0xa4: {  	s3 =	rddreg [dreg:$0x2];
	[bflag:$0x3] =	sbarrier.arrive $0xFFFF;
	s2 =	simm.s32 @!p0 $0x1C05  }
0xa5: {  	[timem:s3], [sflag:s2] =	dma.local @!p0 [hbm:s0], s1  }
0xa6: {  	s0 =	simm.s32 @!p0 $0x5  }
0xa7: {  	_ =	swait.ge @!p0 [sflag:s0], s1  }
0xa8: {  	s1 =	ssub.s32 @!p0 $0x0, s1;
	[sflag:s0] =	ssyncset.done @!p0 $0x0  }
0xa9: {  	[sflag:s0] =	ssyncadd.s32 @!p0 s1  }
0xaa: {  	[bflag:$0x3] =	sbarrier.arrive $0xFFFF  }
0xab: {  	_ =	shalt  }

</sc_bundles>
